<compile_context>
chip_gen: v7x
topology: tpu7x:2x2x1
jax: 0.10.2.dev20260603
libtpu: 0.0.44.dev20260713+nightly
codegen_flags: <defaults>
</compile_context>

<pallas_src>
import functools
import jax
import jax.numpy as jnp
from jax import lax
from jax.experimental import pallas as pl
from jax.experimental.pallas import tpu as pltpu
from jax.experimental.pallas import tpu_sc as plsc

N, H, W = 4, 512, 512
NC, NS, L = 2, 16, 16
NW = NC * NS
WPI = NW // N
RPW = H // WPI
PHASES = 2
RHALF = RPW // PHASES
STEPS_H = RHALF * W // L
CHALF = RHALF * W * 2
TEXP = 66 * 66
TEXPAD = 4368

_mesh = plsc.VectorSubcoreMesh(core_axis_name="c", subcore_axis_name="s")


@functools.partial(
    pl.kernel,
    mesh=_mesh,
    compiler_params=pltpu.CompilerParams(needs_layout_passes=False),
    out_type=jax.ShapeDtypeStruct((N, 1, H, W), jnp.float32),
    scratch_types=[
        pltpu.VMEM((TEXPAD,), jnp.float32),
        pltpu.VMEM((PHASES * CHALF,), jnp.float32),
        pltpu.VMEM((RPW, W), jnp.float32),
        [pltpu.SemaphoreType.DMA] * PHASES,
        [pltpu.SemaphoreType.DMA] * PHASES,
    ],
)
def _sample_kernel(x_hbm, tex_hbm, out_hbm, tex_v, in_v, out_v,
                   isems, osems):
    wid = lax.axis_index("s") * NC + lax.axis_index("c")
    n = wid // WPI
    r0 = (wid % WPI) * RPW
    base = wid * (PHASES * CHALF)

    in_cp = [
        pltpu.async_copy(
            x_hbm.at[pl.ds(base + i * CHALF, CHALF)],
            in_v.at[pl.ds(i * CHALF, CHALF)],
            sem,
        )
        for i, sem in enumerate(isems)
    ]
    pltpu.sync_copy(tex_hbm, tex_v)

    out_cp = []
    for half, osem in enumerate(osems):
        in_cp[half].wait()
        voff = half * CHALF
        rbase = half * RHALF

        @plsc.parallel_loop(0, STEPS_H, unroll=2)
        def body(j):
            r = j >> 5
            k = j & 31
            off = voff + r * 1024 + (k >> 3) * 256 + (k & 7) * 16
            w0 = (k >> 3) * 128 + (k & 7) * 16
            gx = in_v[pl.ds(off, L)]
            gy = in_v[pl.ds(off + 128, L)]

            fbx = gx * 64.0 + 0.5
            fby = gy * 64.0 + 0.5
            jx = fbx.astype(jnp.int32)
            jy = fby.astype(jnp.int32)
            tx = fbx - jx.astype(jnp.float32)
            ty = fby - jy.astype(jnp.float32)

            i00 = jy * 66 + jx
            v00 = plsc.load_gather(tex_v, [i00])
            v01 = plsc.load_gather(tex_v, [i00 + 1])
            v10 = plsc.load_gather(tex_v, [i00 + 66])
            v11 = plsc.load_gather(tex_v, [i00 + 67])

            top = v00 + tx * (v01 - v00)
            bot = v10 + tx * (v11 - v10)
            out_v[rbase + r, pl.ds(w0, L)] = top + ty * (bot - top)

        out_cp.append(
            pltpu.async_copy(
                out_v.at[pl.ds(rbase, RHALF)],
                out_hbm.at[n, 0, pl.ds(r0 + rbase, RHALF)],
                osem,
            )
        )

    for cp in out_cp:
        cp.wait()


def kernel(x, layer1):
    texp = jnp.zeros((66, 66), jnp.float32).at[1:65, 1:65].set(layer1[0, 0])
    texf = jnp.concatenate(
        [texp.reshape(-1), jnp.zeros((TEXPAD - TEXP,), jnp.float32)]
    )
    xr = x.reshape(N, H, 4, 128, 2).swapaxes(3, 4).reshape(-1)
    return _sample_kernel(xr, texf)

# --- scband reference (transcript-rebuilt; emitter-appended) ---
"""Pipeline reference for scband-single-layer-texture-25434796327115 (READ-ONLY COPY).

The authoritative reference and input builder live on the scoring server;
editing this copy changes nothing except your own understanding.
"""

import jax, jax.numpy as jnp
import numpy as np


def setup_inputs(seed: int = 0):
    key = jax.random.key(seed)
    k1, k2 = jax.random.split(key)
    x = jax.random.uniform(k1, (4, 512, 512, 2), dtype=jnp.float32)
    # torch init is zeros; use randn so the reference output/gradients are nontrivial
    layer1 = jax.random.normal(k2, (1, 1, 64, 64), dtype=jnp.float32)
    return {"x": x, "layer1": layer1}


def _grid_sample_bilinear_zeros(inp, grid):
    # Faithful to torch.nn.functional.grid_sample defaults:
    # mode='bilinear', padding_mode='zeros', align_corners=False
    N, C, H, W = inp.shape
    gx = grid[..., 0]
    gy = grid[..., 1]
    ix = ((gx + 1.0) * W - 1.0) / 2.0
    iy = ((gy + 1.0) * H - 1.0) / 2.0
    ix0 = jnp.floor(ix)
    iy0 = jnp.floor(iy)
    ix1 = ix0 + 1.0
    iy1 = iy0 + 1.0
    wx1 = ix - ix0
    wx0 = 1.0 - wx1
    wy1 = iy - iy0
    wy0 = 1.0 - wy1

    inp_flat = inp.reshape(N, C, H * W)

    def gather(ixx, iyy):
        valid = (ixx >= 0.0) & (ixx <= W - 1.0) & (iyy >= 0.0) & (iyy <= H - 1.0)
        ixc = jnp.clip(ixx, 0.0, W - 1.0).astype(jnp.int32)
        iyc = jnp.clip(iyy, 0.0, H - 1.0).astype(jnp.int32)
        flat = iyc * W + ixc  # [N, Ho, Wo]
        Ho, Wo = flat.shape[1], flat.shape[2]
        idx = jnp.broadcast_to(flat.reshape(N, 1, Ho * Wo), (N, C, Ho * Wo))
        vals = jnp.take_along_axis(inp_flat, idx, axis=2).reshape(N, C, Ho, Wo)
        return vals * valid[:, None, :, :].astype(inp.dtype)

    v00 = gather(ix0, iy0)
    v01 = gather(ix1, iy0)
    v10 = gather(ix0, iy1)
    v11 = gather(ix1, iy1)
    out = (v00 * (wx0 * wy0)[:, None, :, :]
           + v01 * (wx1 * wy0)[:, None, :, :]
           + v10 * (wx0 * wy1)[:, None, :, :]
           + v11 * (wx1 * wy1)[:, None, :, :])
    return out


def reference(x, layer1):
    batch = x.shape[0]
    grid = x * 2.0 - 1.0
    tex = jnp.broadcast_to(layer1, (batch,) + layer1.shape[1:])
    return _grid_sample_bilinear_zeros(tex, grid)

if __name__ == "__main__":
    import jax
    _d = setup_inputs()
    print(jax.jit(kernel)(*tuple(_d.values())))

</pallas_src>

<mosaic_0001>
#map = affine_map<(d0, d1) -> (0)>
#map1 = affine_map<(d0, d1) -> (0, 0, 0, 0)>
module attributes {stable_mosaic.version = 14 : i64} {
  func.func @_sample_kernel(%arg0: i32, %arg1: i32, %arg2: memref<2097152xf32, #tpu.memory_space<hbm>>, %arg3: memref<4368xf32, #tpu.memory_space<hbm>>, %arg4: memref<4x1x512x512xf32, #tpu.memory_space<hbm>>, %arg5: memref<4368xf32, #tpu.memory_space<vmem>>, %arg6: memref<65536xf32, #tpu.memory_space<vmem>>, %arg7: memref<64x512xf32, #tpu.memory_space<vmem>>, %arg8: memref<!tpu.dma_semaphore, #tpu.memory_space<semaphore_mem>>, %arg9: memref<!tpu.dma_semaphore, #tpu.memory_space<semaphore_mem>>, %arg10: memref<!tpu.dma_semaphore, #tpu.memory_space<semaphore_mem>>, %arg11: memref<!tpu.dma_semaphore, #tpu.memory_space<semaphore_mem>>) attributes {dimension_semantics = [#tpu.dimension_semantics<core_parallel>, #tpu.dimension_semantics<subcore_parallel>], iteration_bounds = array<i64: 2, 16>, scalar_prefetch = 0 : i64, scratch_operands = 7 : i64, tpu.core_type = #tpu.core_type<sc_vector_subcore>, window_params = [{transform_indices = #map}, {transform_indices = #map}, {transform_indices = #map1}]} {
    %mul3A = arith.constant 2 : i32
    %mul3A_0 = arith.muli %arg1, %mul3A : i32
    %add3A = arith.addi %mul3A_0, %arg0 : i32
    %jit3A = arith.constant 8 : i32
    %div3A = arith.divsi %add3A, %jit3A : i32
    %sign3A = arith.constant 0 : i32
    %sign3A_1 = arith.cmpi sgt, %add3A, %sign3A : i32
    %sign3A_2 = arith.extui %sign3A_1 : i1 to i32
    %sign3A_3 = arith.constant 0 : i32
    %sign3A_4 = arith.cmpi slt, %add3A, %sign3A_3 : i32
    %sign3A_5 = arith.extui %sign3A_4 : i1 to i32
    %sign3A_6 = arith.subi %sign3A_2, %sign3A_5 : i32
    %sign3A_7 = arith.constant 0 : i32
    %sign3A_8 = arith.cmpi sgt, %jit3A, %sign3A_7 : i32
    %sign3A_9 = arith.extui %sign3A_8 : i1 to i32
    %sign3A_10 = arith.constant 0 : i32
    %sign3A_11 = arith.cmpi slt, %jit3A, %sign3A_10 : i32
    %sign3A_12 = arith.extui %sign3A_11 : i1 to i32
    %sign3A_13 = arith.subi %sign3A_9, %sign3A_12 : i32
    %ne3A = arith.cmpi ne, %sign3A_6, %sign3A_13 : i32
    %rem3A = arith.remsi %add3A, %jit3A : i32
    %ne3A_14 = arith.constant 0 : i32
    %ne3A_15 = arith.cmpi ne, %rem3A, %ne3A_14 : i32
    %and3A = arith.andi %ne3A, %ne3A_15 : i1
    %sub3A = arith.constant 1 : i32
    %sub3A_16 = arith.subi %div3A, %sub3A : i32
    %select_n3A = arith.select %and3A, %sub3A_16, %div3A : i32
    %jit3A_17 = arith.constant 8 : i32
    %eq3A = arith.constant 0 : i32
    %eq3A_18 = arith.cmpi eq, %jit3A_17, %eq3A : i32
    %jit3A_19 = arith.constant 1 : i32
    %select_n3A_20 = arith.select %eq3A_18, %jit3A_19, %jit3A_17 : i32
    %rem3A_21 = arith.remsi %add3A, %select_n3A_20 : i32
    %ne3A_22 = arith.constant 0 : i32
    %ne3A_23 = arith.cmpi ne, %rem3A_21, %ne3A_22 : i32
    %lt3A = arith.constant 0 : i32
    %lt3A_24 = arith.cmpi slt, %rem3A_21, %lt3A : i32
    %lt3A_25 = arith.constant 0 : i32
    %lt3A_26 = arith.cmpi slt, %select_n3A_20, %lt3A_25 : i32
    %ne3A_27 = arith.xori %lt3A_24, %lt3A_26 : i1
    %and3A_28 = arith.andi %ne3A_27, %ne3A_23 : i1
    %add3A_29 = arith.addi %rem3A_21, %select_n3A_20 : i32
    %select_n3A_30 = arith.select %and3A_28, %add3A_29, %rem3A_21 : i32
    %mul3A_31 = arith.constant 64 : i32
    %mul3A_32 = arith.muli %select_n3A_30, %mul3A_31 : i32
    %mul3A_33 = arith.constant 65536 : i32
    %mul3A_34 = arith.muli %add3A, %mul3A_33 : i32
    %add3A_35 = arith.constant 0 : i32
    %add3A_36 = arith.addi %mul3A_34, %add3A_35 : i32
    %dma_start3A = arith.constant 0 : i32
    %dma_start3A_37 = tpu.memref_slice %arg6[%dma_start3A] : memref<65536xf32, #tpu.memory_space<vmem>> -> memref<32768xf32, #tpu.memory_space<vmem>>
    %dma_start3A_38 = tpu.memref_slice %arg2[%add3A_36] : memref<2097152xf32, #tpu.memory_space<hbm>> -> memref<32768xf32, #tpu.memory_space<hbm>>
    %dma_start3A_39 = arith.constant 0 : i32
    %dma_start3A_40 = tpu.memref_slice %arg6[%dma_start3A_39] : memref<65536xf32, #tpu.memory_space<vmem>> -> memref<32768xf32, #tpu.memory_space<vmem>>
    %dma_start3A_41 = tpu.memref_slice %arg2[%add3A_36] : memref<2097152xf32, #tpu.memory_space<hbm>> -> memref<32768xf32, #tpu.memory_space<hbm>>
    tpu.enqueue_dma source(%dma_start3A_41 : memref<32768xf32, #tpu.memory_space<hbm>>) target(%dma_start3A_40 : memref<32768xf32, #tpu.memory_space<vmem>>) target_semaphore(%arg8 : memref<!tpu.dma_semaphore, #tpu.memory_space<semaphore_mem>>)
    %add3A_42 = arith.constant 32768 : i32
    %add3A_43 = arith.addi %mul3A_34, %add3A_42 : i32
    %dma_start3A_44 = arith.constant 32768 : i32
    %dma_start3A_45 = tpu.memref_slice %arg6[%dma_start3A_44] : memref<65536xf32, #tpu.memory_space<vmem>> -> memref<32768xf32, #tpu.memory_space<vmem>>
    %dma_start3A_46 = tpu.memref_slice %arg2[%add3A_43] : memref<2097152xf32, #tpu.memory_space<hbm>> -> memref<32768xf32, #tpu.memory_space<hbm>>
    %dma_start3A_47 = arith.constant 32768 : i32
    %dma_start3A_48 = tpu.memref_slice %arg6[%dma_start3A_47] : memref<65536xf32, #tpu.memory_space<vmem>> -> memref<32768xf32, #tpu.memory_space<vmem>>
    %dma_start3A_49 = tpu.memref_slice %arg2[%add3A_43] : memref<2097152xf32, #tpu.memory_space<hbm>> -> memref<32768xf32, #tpu.memory_space<hbm>>
    tpu.enqueue_dma source(%dma_start3A_49 : memref<32768xf32, #tpu.memory_space<hbm>>) target(%dma_start3A_48 : memref<32768xf32, #tpu.memory_space<vmem>>) target_semaphore(%arg9 : memref<!tpu.dma_semaphore, #tpu.memory_space<semaphore_mem>>)
    "tpu.region"() ({
      %run_scoped3A = tpu.sem_alloc : memref<!tpu.dma_semaphore, #tpu.memory_space<semaphore_mem>>
      tpu.enqueue_dma source(%arg3 : memref<4368xf32, #tpu.memory_space<hbm>>) target(%arg5 : memref<4368xf32, #tpu.memory_space<vmem>>) target_semaphore(%run_scoped3A : memref<!tpu.dma_semaphore, #tpu.memory_space<semaphore_mem>>)
      tpu.wait_dma2 semaphore(%run_scoped3A : memref<!tpu.dma_semaphore, #tpu.memory_space<semaphore_mem>>) src(%arg3 : memref<4368xf32, #tpu.memory_space<hbm>>) dst(%arg5 : memref<4368xf32, #tpu.memory_space<vmem>>)
      tpu.yield
    }) : () -> ()
    %dma_wait3A = arith.constant 0 : i32
    %dma_wait3A_50 = tpu.memref_slice %arg6[%dma_wait3A] : memref<65536xf32, #tpu.memory_space<vmem>> -> memref<32768xf32, #tpu.memory_space<vmem>>
    %dma_wait3A_51 = tpu.memref_slice %arg2[%add3A_36] : memref<2097152xf32, #tpu.memory_space<hbm>> -> memref<32768xf32, #tpu.memory_space<hbm>>
    %dma_wait3A_52 = arith.constant 0 : i32
    %dma_wait3A_53 = tpu.memref_slice %arg6[%dma_wait3A_52] : memref<65536xf32, #tpu.memory_space<vmem>> -> memref<32768xf32, #tpu.memory_space<vmem>>
    %dma_wait3A_54 = tpu.memref_slice %arg2[%add3A_36] : memref<2097152xf32, #tpu.memory_space<hbm>> -> memref<32768xf32, #tpu.memory_space<hbm>>
    tpu.wait_dma2 semaphore(%arg8 : memref<!tpu.dma_semaphore, #tpu.memory_space<semaphore_mem>>) src(%dma_wait3A_54 : memref<32768xf32, #tpu.memory_space<hbm>>) dst(%dma_wait3A_53 : memref<32768xf32, #tpu.memory_space<vmem>>)
    %parallel_loop3A = arith.constant 0 : i32
    %parallel_loop3A_55 = arith.constant 1024 : i32
    %parallel_loop3A_56 = arith.constant 1 : i32
    scf.for %parallel_loop3A_122 = %parallel_loop3A to %parallel_loop3A_55 step %parallel_loop3A_56  : i32 {
      %parallel_loop3A_123 = arith.constant 5 : i32
      %parallel_loop3A_124 = arith.shrsi %parallel_loop3A_122, %parallel_loop3A_123 : i32
      %parallel_loop3A_125 = arith.constant 31 : i32
      %parallel_loop3A_126 = arith.andi %parallel_loop3A_122, %parallel_loop3A_125 : i32
      %parallel_loop3A_127 = arith.constant 1024 : i32
      %parallel_loop3A_128 = arith.muli %parallel_loop3A_124, %parallel_loop3A_127 : i32
      %parallel_loop3A_129 = arith.constant 0 : i32
      %parallel_loop3A_130 = arith.addi %parallel_loop3A_129, %parallel_loop3A_128 : i32
      %parallel_loop3A_131 = arith.constant 3 : i32
      %parallel_loop3A_132 = arith.shrsi %parallel_loop3A_126, %parallel_loop3A_131 : i32
      %parallel_loop3A_133 = arith.constant 256 : i32
      %parallel_loop3A_134 = arith.muli %parallel_loop3A_132, %parallel_loop3A_133 : i32
      %parallel_loop3A_135 = arith.addi %parallel_loop3A_130, %parallel_loop3A_134 : i32
      %parallel_loop3A_136 = arith.constant 7 : i32
      %parallel_loop3A_137 = arith.andi %parallel_loop3A_126, %parallel_loop3A_136 : i32
      %parallel_loop3A_138 = arith.constant 16 : i32
      %parallel_loop3A_139 = arith.muli %parallel_loop3A_137, %parallel_loop3A_138 : i32
      %parallel_loop3A_140 = arith.addi %parallel_loop3A_135, %parallel_loop3A_139 : i32
      %parallel_loop3A_141 = arith.constant 3 : i32
      %parallel_loop3A_142 = arith.shrsi %parallel_loop3A_126, %parallel_loop3A_141 : i32
      %parallel_loop3A_143 = arith.constant 128 : i32
      %parallel_loop3A_144 = arith.muli %parallel_loop3A_142, %parallel_loop3A_143 : i32
      %parallel_loop3A_145 = arith.constant 7 : i32
      %parallel_loop3A_146 = arith.andi %parallel_loop3A_126, %parallel_loop3A_145 : i32
      %parallel_loop3A_147 = arith.constant 16 : i32
      %parallel_loop3A_148 = arith.muli %parallel_loop3A_146, %parallel_loop3A_147 : i32
      %parallel_loop3A_149 = arith.addi %parallel_loop3A_144, %parallel_loop3A_148 : i32
      %parallel_loop3A_150 = arith.index_cast %parallel_loop3A_140 : i32 to index
      %parallel_loop3A_151 = tpu.vector_load %arg6[%parallel_loop3A_150] {strides = array<i32>} : memref<65536xf32, #tpu.memory_space<vmem>>, vector<16xf32>,
      %parallel_loop3A_152 = arith.constant 128 : i32
      %parallel_loop3A_153 = arith.addi %parallel_loop3A_140, %parallel_loop3A_152 : i32
      %parallel_loop3A_154 = arith.index_cast %parallel_loop3A_153 : i32 to index
      %parallel_loop3A_155 = tpu.vector_load %arg6[%parallel_loop3A_154] {strides = array<i32>} : memref<65536xf32, #tpu.memory_space<vmem>>, vector<16xf32>,
      %parallel_loop3A_156 = arith.constant 6.400000e+01 : f32
      %parallel_loop3A_157 = vector.broadcast %parallel_loop3A_156 : f32 to vector<16xf32>
      %parallel_loop3A_158 = arith.mulf %parallel_loop3A_151, %parallel_loop3A_157 : vector<16xf32>
      %parallel_loop3A_159 = arith.constant 5.000000e-01 : f32
      %parallel_loop3A_160 = vector.broadcast %parallel_loop3A_159 : f32 to vector<16xf32>
      %parallel_loop3A_161 = arith.addf %parallel_loop3A_158, %parallel_loop3A_160 : vector<16xf32>
      %parallel_loop3A_162 = arith.constant 6.400000e+01 : f32
      %parallel_loop3A_163 = vector.broadcast %parallel_loop3A_162 : f32 to vector<16xf32>
      %parallel_loop3A_164 = arith.mulf %parallel_loop3A_155, %parallel_loop3A_163 : vector<16xf32>
      %parallel_loop3A_165 = arith.constant 5.000000e-01 : f32
      %parallel_loop3A_166 = vector.broadcast %parallel_loop3A_165 : f32 to vector<16xf32>
      %parallel_loop3A_167 = arith.addf %parallel_loop3A_164, %parallel_loop3A_166 : vector<16xf32>
      %parallel_loop3A_168 = arith.fptosi %parallel_loop3A_161 : vector<16xf32> to vector<16xi32>
      %parallel_loop3A_169 = arith.fptosi %parallel_loop3A_167 : vector<16xf32> to vector<16xi32>
      %parallel_loop3A_170 = arith.sitofp %parallel_loop3A_168 : vector<16xi32> to vector<16xf32>
      %parallel_loop3A_171 = arith.subf %parallel_loop3A_161, %parallel_loop3A_170 : vector<16xf32>
      %parallel_loop3A_172 = arith.sitofp %parallel_loop3A_169 : vector<16xi32> to vector<16xf32>
      %parallel_loop3A_173 = arith.subf %parallel_loop3A_167, %parallel_loop3A_172 : vector<16xf32>
      %parallel_loop3A_174 = arith.constant 66 : i32
      %parallel_loop3A_175 = vector.broadcast %parallel_loop3A_174 : i32 to vector<16xi32>
      %parallel_loop3A_176 = arith.muli %parallel_loop3A_169, %parallel_loop3A_175 : vector<16xi32>
      %parallel_loop3A_177 = arith.addi %parallel_loop3A_176, %parallel_loop3A_168 : vector<16xi32>
      %parallel_loop3A_178 = tpu.vector_load_idx %arg5[%parallel_loop3A_177] : memref<4368xf32, #tpu.memory_space<vmem>>[vector<16xi32>], vector<16xf32>,
      %parallel_loop3A_179 = arith.constant 1 : i32
      %parallel_loop3A_180 = vector.broadcast %parallel_loop3A_179 : i32 to vector<16xi32>
      %parallel_loop3A_181 = arith.addi %parallel_loop3A_177, %parallel_loop3A_180 : vector<16xi32>
      %parallel_loop3A_182 = tpu.vector_load_idx %arg5[%parallel_loop3A_181] : memref<4368xf32, #tpu.memory_space<vmem>>[vector<16xi32>], vector<16xf32>,
      %parallel_loop3A_183 = arith.constant 66 : i32
      %parallel_loop3A_184 = vector.broadcast %parallel_loop3A_183 : i32 to vector<16xi32>
      %parallel_loop3A_185 = arith.addi %parallel_loop3A_177, %parallel_loop3A_184 : vector<16xi32>
      %parallel_loop3A_186 = tpu.vector_load_idx %arg5[%parallel_loop3A_185] : memref<4368xf32, #tpu.memory_space<vmem>>[vector<16xi32>], vector<16xf32>,
      %parallel_loop3A_187 = arith.constant 67 : i32
      %parallel_loop3A_188 = vector.broadcast %parallel_loop3A_187 : i32 to vector<16xi32>
      %parallel_loop3A_189 = arith.addi %parallel_loop3A_177, %parallel_loop3A_188 : vector<16xi32>
      %parallel_loop3A_190 = tpu.vector_load_idx %arg5[%parallel_loop3A_189] : memref<4368xf32, #tpu.memory_space<vmem>>[vector<16xi32>], vector<16xf32>,
      %parallel_loop3A_191 = arith.subf %parallel_loop3A_182, %parallel_loop3A_178 : vector<16xf32>
      %parallel_loop3A_192 = arith.mulf %parallel_loop3A_171, %parallel_loop3A_191 : vector<16xf32>
      %parallel_loop3A_193 = arith.addf %parallel_loop3A_178, %parallel_loop3A_192 : vector<16xf32>
      %parallel_loop3A_194 = arith.subf %parallel_loop3A_190, %parallel_loop3A_186 : vector<16xf32>
      %parallel_loop3A_195 = arith.mulf %parallel_loop3A_171, %parallel_loop3A_194 : vector<16xf32>
      %parallel_loop3A_196 = arith.addf %parallel_loop3A_186, %parallel_loop3A_195 : vector<16xf32>
      %parallel_loop3A_197 = arith.subf %parallel_loop3A_196, %parallel_loop3A_193 : vector<16xf32>
      %parallel_loop3A_198 = arith.mulf %parallel_loop3A_173, %parallel_loop3A_197 : vector<16xf32>
      %parallel_loop3A_199 = arith.addf %parallel_loop3A_193, %parallel_loop3A_198 : vector<16xf32>
      %parallel_loop3A_200 = arith.constant 0 : i32
      %parallel_loop3A_201 = arith.addi %parallel_loop3A_200, %parallel_loop3A_124 : i32
      %parallel_loop3A_202 = arith.index_cast %parallel_loop3A_201 : i32 to index
      %parallel_loop3A_203 = arith.index_cast %parallel_loop3A_149 : i32 to index
      %parallel_loop3A_204 = tpu.vector_load %arg7[%parallel_loop3A_202, %parallel_loop3A_203] {strides = array<i32>} : memref<64x512xf32, #tpu.memory_space<vmem>>, vector<16xf32>,
      tpu.vector_store %arg7[%parallel_loop3A_202, %parallel_loop3A_203], %parallel_loop3A_199 {strides = array<i32>} : memref<64x512xf32, #tpu.memory_space<vmem>>, vector<16xf32>,
    } {sc.loop_unroll_factor = 2 : i64, sc.parallel_access}
    %add3A_57 = arith.constant 0 : i32
    %add3A_58 = arith.addi %mul3A_32, %add3A_57 : i32
    %dma_start3A_59 = arith.constant 0 : i32
    %dma_start3A_60 = arith.constant 0 : i32
    %dma_start3A_61 = arith.constant 0 : i32
    %dma_start3A_62 = tpu.memref_slice %arg7[%dma_start3A_60, %dma_start3A_61] : memref<64x512xf32, #tpu.memory_space<vmem>> -> memref<32x512xf32, #tpu.memory_space<vmem>>
    %dma_start3A_63 = arith.constant 0 : i32
    %dma_start3A_64 = tpu.memref_slice %arg4[%select_n3A, %dma_start3A_59, %add3A_58, %dma_start3A_63] : memref<4x1x512x512xf32, #tpu.memory_space<hbm>> -> memref<1x1x32x512xf32, #tpu.memory_space<hbm>>
    %dma_start3A_65 = tpu.memref_squeeze %dma_start3A_64 : memref<1x1x32x512xf32, #tpu.memory_space<hbm>> -> memref<32x512xf32, #tpu.memory_space<hbm>>
    %dma_start3A_66 = arith.constant 0 : i32
    %dma_start3A_67 = tpu.memref_slice %arg4[%select_n3A, %dma_start3A_59, %add3A_58, %dma_start3A_66] : memref<4x1x512x512xf32, #tpu.memory_space<hbm>> -> memref<1x1x32x512xf32, #tpu.memory_space<hbm>>
    %dma_start3A_68 = tpu.memref_squeeze %dma_start3A_67 : memref<1x1x32x512xf32, #tpu.memory_space<hbm>> -> memref<32x512xf32, #tpu.memory_space<hbm>>
    %dma_start3A_69 = arith.constant 0 : i32
    %dma_start3A_70 = arith.constant 0 : i32
    %dma_start3A_71 = tpu.memref_slice %arg7[%dma_start3A_69, %dma_start3A_70] : memref<64x512xf32, #tpu.memory_space<vmem>> -> memref<32x512xf32, #tpu.memory_space<vmem>>
    tpu.enqueue_dma source(%dma_start3A_71 : memref<32x512xf32, #tpu.memory_space<vmem>>) target(%dma_start3A_68 : memref<32x512xf32, #tpu.memory_space<hbm>>) target_semaphore(%arg10 : memref<!tpu.dma_semaphore, #tpu.memory_space<semaphore_mem>>)
    %dma_wait3A_72 = arith.constant 32768 : i32
    %dma_wait3A_73 = tpu.memref_slice %arg6[%dma_wait3A_72] : memref<65536xf32, #tpu.memory_space<vmem>> -> memref<32768xf32, #tpu.memory_space<vmem>>
    %dma_wait3A_74 = tpu.memref_slice %arg2[%add3A_43] : memref<2097152xf32, #tpu.memory_space<hbm>> -> memref<32768xf32, #tpu.memory_space<hbm>>
    %dma_wait3A_75 = arith.constant 32768 : i32
    %dma_wait3A_76 = tpu.memref_slice %arg6[%dma_wait3A_75] : memref<65536xf32, #tpu.memory_space<vmem>> -> memref<32768xf32, #tpu.memory_space<vmem>>
    %dma_wait3A_77 = tpu.memref_slice %arg2[%add3A_43] : memref<2097152xf32, #tpu.memory_space<hbm>> -> memref<32768xf32, #tpu.memory_space<hbm>>
    tpu.wait_dma2 semaphore(%arg9 : memref<!tpu.dma_semaphore, #tpu.memory_space<semaphore_mem>>) src(%dma_wait3A_77 : memref<32768xf32, #tpu.memory_space<hbm>>) dst(%dma_wait3A_76 : memref<32768xf32, #tpu.memory_space<vmem>>)
    %parallel_loop3A_78 = arith.constant 0 : i32
    %parallel_loop3A_79 = arith.constant 1024 : i32
    %parallel_loop3A_80 = arith.constant 1 : i32
    scf.for %parallel_loop3A_122 = %parallel_loop3A_78 to %parallel_loop3A_79 step %parallel_loop3A_80  : i32 {
      %parallel_loop3A_123 = arith.constant 5 : i32
      %parallel_loop3A_124 = arith.shrsi %parallel_loop3A_122, %parallel_loop3A_123 : i32
      %parallel_loop3A_125 = arith.constant 31 : i32
      %parallel_loop3A_126 = arith.andi %parallel_loop3A_122, %parallel_loop3A_125 : i32
      %parallel_loop3A_127 = arith.constant 1024 : i32
      %parallel_loop3A_128 = arith.muli %parallel_loop3A_124, %parallel_loop3A_127 : i32
      %parallel_loop3A_129 = arith.constant 32768 : i32
      %parallel_loop3A_130 = arith.addi %parallel_loop3A_129, %parallel_loop3A_128 : i32
      %parallel_loop3A_131 = arith.constant 3 : i32
      %parallel_loop3A_132 = arith.shrsi %parallel_loop3A_126, %parallel_loop3A_131 : i32
      %parallel_loop3A_133 = arith.constant 256 : i32
      %parallel_loop3A_134 = arith.muli %parallel_loop3A_132, %parallel_loop3A_133 : i32
      %parallel_loop3A_135 = arith.addi %parallel_loop3A_130, %parallel_loop3A_134 : i32
      %parallel_loop3A_136 = arith.constant 7 : i32
      %parallel_loop3A_137 = arith.andi %parallel_loop3A_126, %parallel_loop3A_136 : i32
      %parallel_loop3A_138 = arith.constant 16 : i32
      %parallel_loop3A_139 = arith.muli %parallel_loop3A_137, %parallel_loop3A_138 : i32
      %parallel_loop3A_140 = arith.addi %parallel_loop3A_135, %parallel_loop3A_139 : i32
      %parallel_loop3A_141 = arith.constant 3 : i32
      %parallel_loop3A_142 = arith.shrsi %parallel_loop3A_126, %parallel_loop3A_141 : i32
      %parallel_loop3A_143 = arith.constant 128 : i32
      %parallel_loop3A_144 = arith.muli %parallel_loop3A_142, %parallel_loop3A_143 : i32
      %parallel_loop3A_145 = arith.constant 7 : i32
      %parallel_loop3A_146 = arith.andi %parallel_loop3A_126, %parallel_loop3A_145 : i32
      %parallel_loop3A_147 = arith.constant 16 : i32
      %parallel_loop3A_148 = arith.muli %parallel_loop3A_146, %parallel_loop3A_147 : i32
      %parallel_loop3A_149 = arith.addi %parallel_loop3A_144, %parallel_loop3A_148 : i32
      %parallel_loop3A_150 = arith.index_cast %parallel_loop3A_140 : i32 to index
      %parallel_loop3A_151 = tpu.vector_load %arg6[%parallel_loop3A_150] {strides = array<i32>} : memref<65536xf32, #tpu.memory_space<vmem>>, vector<16xf32>,
      %parallel_loop3A_152 = arith.constant 128 : i32
      %parallel_loop3A_153 = arith.addi %parallel_loop3A_140, %parallel_loop3A_152 : i32
      %parallel_loop3A_154 = arith.index_cast %parallel_loop3A_153 : i32 to index
      %parallel_loop3A_155 = tpu.vector_load %arg6[%parallel_loop3A_154] {strides = array<i32>} : memref<65536xf32, #tpu.memory_space<vmem>>, vector<16xf32>,
      %parallel_loop3A_156 = arith.constant 6.400000e+01 : f32
      %parallel_loop3A_157 = vector.broadcast %parallel_loop3A_156 : f32 to vector<16xf32>
      %parallel_loop3A_158 = arith.mulf %parallel_loop3A_151, %parallel_loop3A_157 : vector<16xf32>
      %parallel_loop3A_159 = arith.constant 5.000000e-01 : f32
      %parallel_loop3A_160 = vector.broadcast %parallel_loop3A_159 : f32 to vector<16xf32>
      %parallel_loop3A_161 = arith.addf %parallel_loop3A_158, %parallel_loop3A_160 : vector<16xf32>
      %parallel_loop3A_162 = arith.constant 6.400000e+01 : f32
      %parallel_loop3A_163 = vector.broadcast %parallel_loop3A_162 : f32 to vector<16xf32>
      %parallel_loop3A_164 = arith.mulf %parallel_loop3A_155, %parallel_loop3A_163 : vector<16xf32>
      %parallel_loop3A_165 = arith.constant 5.000000e-01 : f32
      %parallel_loop3A_166 = vector.broadcast %parallel_loop3A_165 : f32 to vector<16xf32>
      %parallel_loop3A_167 = arith.addf %parallel_loop3A_164, %parallel_loop3A_166 : vector<16xf32>
      %parallel_loop3A_168 = arith.fptosi %parallel_loop3A_161 : vector<16xf32> to vector<16xi32>
      %parallel_loop3A_169 = arith.fptosi %parallel_loop3A_167 : vector<16xf32> to vector<16xi32>
      %parallel_loop3A_170 = arith.sitofp %parallel_loop3A_168 : vector<16xi32> to vector<16xf32>
      %parallel_loop3A_171 = arith.subf %parallel_loop3A_161, %parallel_loop3A_170 : vector<16xf32>
      %parallel_loop3A_172 = arith.sitofp %parallel_loop3A_169 : vector<16xi32> to vector<16xf32>
      %parallel_loop3A_173 = arith.subf %parallel_loop3A_167, %parallel_loop3A_172 : vector<16xf32>
      %parallel_loop3A_174 = arith.constant 66 : i32
      %parallel_loop3A_175 = vector.broadcast %parallel_loop3A_174 : i32 to vector<16xi32>
      %parallel_loop3A_176 = arith.muli %parallel_loop3A_169, %parallel_loop3A_175 : vector<16xi32>
      %parallel_loop3A_177 = arith.addi %parallel_loop3A_176, %parallel_loop3A_168 : vector<16xi32>
      %parallel_loop3A_178 = tpu.vector_load_idx %arg5[%parallel_loop3A_177] : memref<4368xf32, #tpu.memory_space<vmem>>[vector<16xi32>], vector<16xf32>,
      %parallel_loop3A_179 = arith.constant 1 : i32
      %parallel_loop3A_180 = vector.broadcast %parallel_loop3A_179 : i32 to vector<16xi32>
      %parallel_loop3A_181 = arith.addi %parallel_loop3A_177, %parallel_loop3A_180 : vector<16xi32>
      %parallel_loop3A_182 = tpu.vector_load_idx %arg5[%parallel_loop3A_181] : memref<4368xf32, #tpu.memory_space<vmem>>[vector<16xi32>], vector<16xf32>,
      %parallel_loop3A_183 = arith.constant 66 : i32
      %parallel_loop3A_184 = vector.broadcast %parallel_loop3A_183 : i32 to vector<16xi32>
      %parallel_loop3A_185 = arith.addi %parallel_loop3A_177, %parallel_loop3A_184 : vector<16xi32>
      %parallel_loop3A_186 = tpu.vector_load_idx %arg5[%parallel_loop3A_185] : memref<4368xf32, #tpu.memory_space<vmem>>[vector<16xi32>], vector<16xf32>,
      %parallel_loop3A_187 = arith.constant 67 : i32
      %parallel_loop3A_188 = vector.broadcast %parallel_loop3A_187 : i32 to vector<16xi32>
      %parallel_loop3A_189 = arith.addi %parallel_loop3A_177, %parallel_loop3A_188 : vector<16xi32>
      %parallel_loop3A_190 = tpu.vector_load_idx %arg5[%parallel_loop3A_189] : memref<4368xf32, #tpu.memory_space<vmem>>[vector<16xi32>], vector<16xf32>,
      %parallel_loop3A_191 = arith.subf %parallel_loop3A_182, %parallel_loop3A_178 : vector<16xf32>
      %parallel_loop3A_192 = arith.mulf %parallel_loop3A_171, %parallel_loop3A_191 : vector<16xf32>
      %parallel_loop3A_193 = arith.addf %parallel_loop3A_178, %parallel_loop3A_192 : vector<16xf32>
      %parallel_loop3A_194 = arith.subf %parallel_loop3A_190, %parallel_loop3A_186 : vector<16xf32>
      %parallel_loop3A_195 = arith.mulf %parallel_loop3A_171, %parallel_loop3A_194 : vector<16xf32>
      %parallel_loop3A_196 = arith.addf %parallel_loop3A_186, %parallel_loop3A_195 : vector<16xf32>
      %parallel_loop3A_197 = arith.subf %parallel_loop3A_196, %parallel_loop3A_193 : vector<16xf32>
      %parallel_loop3A_198 = arith.mulf %parallel_loop3A_173, %parallel_loop3A_197 : vector<16xf32>
      %parallel_loop3A_199 = arith.addf %parallel_loop3A_193, %parallel_loop3A_198 : vector<16xf32>
      %parallel_loop3A_200 = arith.constant 32 : i32
      %parallel_loop3A_201 = arith.addi %parallel_loop3A_200, %parallel_loop3A_124 : i32
      %parallel_loop3A_202 = arith.index_cast %parallel_loop3A_201 : i32 to index
      %parallel_loop3A_203 = arith.index_cast %parallel_loop3A_149 : i32 to index
      %parallel_loop3A_204 = tpu.vector_load %arg7[%parallel_loop3A_202, %parallel_loop3A_203] {strides = array<i32>} : memref<64x512xf32, #tpu.memory_space<vmem>>, vector<16xf32>,
      tpu.vector_store %arg7[%parallel_loop3A_202, %parallel_loop3A_203], %parallel_loop3A_199 {strides = array<i32>} : memref<64x512xf32, #tpu.memory_space<vmem>>, vector<16xf32>,
    } {sc.loop_unroll_factor = 2 : i64, sc.parallel_access}
    %add3A_81 = arith.constant 32 : i32
    %add3A_82 = arith.addi %mul3A_32, %add3A_81 : i32
    %dma_start3A_83 = arith.constant 0 : i32
    %dma_start3A_84 = arith.constant 32 : i32
    %dma_start3A_85 = arith.constant 0 : i32
    %dma_start3A_86 = tpu.memref_slice %arg7[%dma_start3A_84, %dma_start3A_85] : memref<64x512xf32, #tpu.memory_space<vmem>> -> memref<32x512xf32, #tpu.memory_space<vmem>>
    %dma_start3A_87 = arith.constant 0 : i32
    %dma_start3A_88 = tpu.memref_slice %arg4[%select_n3A, %dma_start3A_83, %add3A_82, %dma_start3A_87] : memref<4x1x512x512xf32, #tpu.memory_space<hbm>> -> memref<1x1x32x512xf32, #tpu.memory_space<hbm>>
    %dma_start3A_89 = tpu.memref_squeeze %dma_start3A_88 : memref<1x1x32x512xf32, #tpu.memory_space<hbm>> -> memref<32x512xf32, #tpu.memory_space<hbm>>
    %dma_start3A_90 = arith.constant 0 : i32
    %dma_start3A_91 = tpu.memref_slice %arg4[%select_n3A, %dma_start3A_83, %add3A_82, %dma_start3A_90] : memref<4x1x512x512xf32, #tpu.memory_space<hbm>> -> memref<1x1x32x512xf32, #tpu.memory_space<hbm>>
    %dma_start3A_92 = tpu.memref_squeeze %dma_start3A_91 : memref<1x1x32x512xf32, #tpu.memory_space<hbm>> -> memref<32x512xf32, #tpu.memory_space<hbm>>
    %dma_start3A_93 = arith.constant 32 : i32
    %dma_start3A_94 = arith.constant 0 : i32
    %dma_start3A_95 = tpu.memref_slice %arg7[%dma_start3A_93, %dma_start3A_94] : memref<64x512xf32, #tpu.memory_space<vmem>> -> memref<32x512xf32, #tpu.memory_space<vmem>>
    tpu.enqueue_dma source(%dma_start3A_95 : memref<32x512xf32, #tpu.memory_space<vmem>>) target(%dma_start3A_92 : memref<32x512xf32, #tpu.memory_space<hbm>>) target_semaphore(%arg11 : memref<!tpu.dma_semaphore, #tpu.memory_space<semaphore_mem>>)
    %dma_wait3A_96 = arith.constant 0 : i32
    %dma_wait3A_97 = arith.constant 0 : i32
    %dma_wait3A_98 = arith.constant 0 : i32
    %dma_wait3A_99 = tpu.memref_slice %arg7[%dma_wait3A_97, %dma_wait3A_98] : memref<64x512xf32, #tpu.memory_space<vmem>> -> memref<32x512xf32, #tpu.memory_space<vmem>>
    %dma_wait3A_100 = arith.constant 0 : i32
    %dma_wait3A_101 = tpu.memref_slice %arg4[%select_n3A, %dma_wait3A_96, %add3A_58, %dma_wait3A_100] : memref<4x1x512x512xf32, #tpu.memory_space<hbm>> -> memref<1x1x32x512xf32, #tpu.memory_space<hbm>>
    %dma_wait3A_102 = tpu.memref_squeeze %dma_wait3A_101 : memref<1x1x32x512xf32, #tpu.memory_space<hbm>> -> memref<32x512xf32, #tpu.memory_space<hbm>>
    %dma_wait3A_103 = arith.constant 0 : i32
    %dma_wait3A_104 = tpu.memref_slice %arg4[%select_n3A, %dma_wait3A_96, %add3A_58, %dma_wait3A_103] : memref<4x1x512x512xf32, #tpu.memory_space<hbm>> -> memref<1x1x32x512xf32, #tpu.memory_space<hbm>>
    %dma_wait3A_105 = tpu.memref_squeeze %dma_wait3A_104 : memref<1x1x32x512xf32, #tpu.memory_space<hbm>> -> memref<32x512xf32, #tpu.memory_space<hbm>>
    %dma_wait3A_106 = arith.constant 0 : i32
    %dma_wait3A_107 = arith.constant 0 : i32
    %dma_wait3A_108 = tpu.memref_slice %arg7[%dma_wait3A_106, %dma_wait3A_107] : memref<64x512xf32, #tpu.memory_space<vmem>> -> memref<32x512xf32, #tpu.memory_space<vmem>>
    tpu.wait_dma2 semaphore(%arg10 : memref<!tpu.dma_semaphore, #tpu.memory_space<semaphore_mem>>) src(%dma_wait3A_108 : memref<32x512xf32, #tpu.memory_space<vmem>>) dst(%dma_wait3A_105 : memref<32x512xf32, #tpu.memory_space<hbm>>)
    %dma_wait3A_109 = arith.constant 0 : i32
    %dma_wait3A_110 = arith.constant 32 : i32
    %dma_wait3A_111 = arith.constant 0 : i32
    %dma_wait3A_112 = tpu.memref_slice %arg7[%dma_wait3A_110, %dma_wait3A_111] : memref<64x512xf32, #tpu.memory_space<vmem>> -> memref<32x512xf32, #tpu.memory_space<vmem>>
    %dma_wait3A_113 = arith.constant 0 : i32
    %dma_wait3A_114 = tpu.memref_slice %arg4[%select_n3A, %dma_wait3A_109, %add3A_82, %dma_wait3A_113] : memref<4x1x512x512xf32, #tpu.memory_space<hbm>> -> memref<1x1x32x512xf32, #tpu.memory_space<hbm>>
    %dma_wait3A_115 = tpu.memref_squeeze %dma_wait3A_114 : memref<1x1x32x512xf32, #tpu.memory_space<hbm>> -> memref<32x512xf32, #tpu.memory_space<hbm>>
    %dma_wait3A_116 = arith.constant 0 : i32
    %dma_wait3A_117 = tpu.memref_slice %arg4[%select_n3A, %dma_wait3A_109, %add3A_82, %dma_wait3A_116] : memref<4x1x512x512xf32, #tpu.memory_space<hbm>> -> memref<1x1x32x512xf32, #tpu.memory_space<hbm>>
    %dma_wait3A_118 = tpu.memref_squeeze %dma_wait3A_117 : memref<1x1x32x512xf32, #tpu.memory_space<hbm>> -> memref<32x512xf32, #tpu.memory_space<hbm>>
    %dma_wait3A_119 = arith.constant 32 : i32
    %dma_wait3A_120 = arith.constant 0 : i32
    %dma_wait3A_121 = tpu.memref_slice %arg7[%dma_wait3A_119, %dma_wait3A_120] : memref<64x512xf32, #tpu.memory_space<vmem>> -> memref<32x512xf32, #tpu.memory_space<vmem>>
    tpu.wait_dma2 semaphore(%arg11 : memref<!tpu.dma_semaphore, #tpu.memory_space<semaphore_mem>>) src(%dma_wait3A_121 : memref<32x512xf32, #tpu.memory_space<vmem>>) dst(%dma_wait3A_118 : memref<32x512xf32, #tpu.memory_space<hbm>>)
    return
  }
}

</mosaic_0001>

<sc_bundles>
// kernel: kernel.3.cloned.1.call-start
scs
__scs_entry_jumppad:
0x0: {  	(pc) =	sbr.rel $0x88, $3  }
0x1: {  	(tag) =	ssettag $0x0;
	lr =	simm.s32 $0x1  }
0x2: {  	[smem:$0x3F9F] =	sst lr;
	_ =	strace $0xD0000000  }
0x3: {  	_ = 	snop  }
0x4: {  	_ = 	snop  }
0x5: {  	_ = 	snop  }
0x6: {  	_ = 	snop  }
0x7: {  	_ = 	snop  }
__scs_overlays_trampoline_lowered:
0x8: {  	[smem:$0x3FAE] =	sst s0  }
0x9: {  	[smem:$0x3FAF] =	sst s1  }
0xa: {  	[smem:$0x3FB0] =	sst s2  }
0xb: {  	[smem:$0x3FB1] =	sst s3  }
0xc: {  	[smem:$0x3FB2] =	sst s4  }
0xd: {  	[smem:$0x3FB3] =	sst s5  }
0xe: {  	[smem:$0x3FB4] =	sst s6  }
0xf: {  	[smem:$0x3FB5] =	sst s7  }
0x10: {  	[smem:$0x3FB6] =	sst s8  }
0x11: {  	[smem:$0x3FB7] =	sst s9;
	s0 =	simm.s32 @!p0 $0x0  }
0x12: {  	s1 =	sld [smem:$0x3F9D];
	s0 =	simm.s32 @p0 $0x1  }
0x13: {  	[smem:$0x3FB8] =	sst s0;
	s0 =	simm.s32 @!p1 $0x0  }
0x14: {  	s2 =	sld [smem:$0x3F9C];
	s0 =	simm.s32 @p1 $0x1  }
0x15: {  	[smem:$0x3FB9] =	sst s0;
	s0 =	simm.s32 @!p2 $0x0  }
0x16: {  	s3 =	sld [smem:$0x3FDB];
	s0 =	simm.s32 @p2 $0x1  }
0x17: {  	s4 =	simm.s32 $0x1BF5;
	[smem:$0x3FBB] =	sst s0  }
0x18: {  	s0 =	sld [smem:$0x3F9E];
	_ =	swait.ge [sflag:s4], $0x0  }
0x19: {  	s7 =	sld [smem:$0x3F9F]  }
0x1a: {  	s8 =	sadd.s32 $0xFFFFE003, lr  }
0x1b: {  	s9 =	sadd.s32 $0xFFFFFEF7, lr;
	s5 =	simm.s32 $0xFFFFFFFF;
	p2 =	slt.u32 s8, $0xFFFFF086  }
0x1c: {  	p1 =	slt.u32 s9, $0xF7A;
	s5 =	simm.s32 @!p2 $0x0  }
0x1d: {  	s5 =	simm.s32 @p1 $0x1;
	p0 =	seq.s32 s7, s2  }
0x1e: {  	s7 =	smul.u32 @!p0 $0xF7A, s2;
	p2 =	seq.s32 @!p0 s5, $0x0  }
0x1f: {  	s9 =	smul.u32 $0xF7A, s1;
	s8 =	simm.s32 @!p0 $0x1BF5;
	p2 =	por !p2, p0  }
0x20: {  	[sflag:s8] =	ssyncset.s32 @!p0 $0xFFFFF086;
	s6 =	sadd.s32 @!p0 s3, s7;
	s7 =	simm.s32 @!p0 $0x108  }
0x21: {  	s3 =	sadd.s32 s3, s9;
	s6 =	sadd.s32 @!p0 $0x88, s6;
	s7 =	simm.s32 @p2 $0x1082  }
0x22: {  	[simem:s7], [sflag:s8] =	dma.local @!p0 [hbm:s6], $0xF7A  }
0x23: {  	s9 =	sor.u32 $0xD0000000, s2;
	s6 =	simm.s32 $0x108;
	_ =	swait.ge @!p0 [sflag:s8], $0x0  }
0x24: {  	s3 =	sadd.s32 $0x88, s3;
	s6 =	simm.s32 @!p1 $0x1082;
	[sflag:s4] =	ssyncset.s32 $0xFFFFF086  }
0x25: {  	[simem:s6], [sflag:s4] =	dma.local [hbm:s3], $0xF7A  }
0x26: {  	[smem:$0x3F9F] =	sst s1;
	(tag) =	ssettag s2;
	_ =	strace s9  }
0x27: {  	s1 =	sld [smem:$0x3FAF]  }
0x28: {  	s2 =	sld [smem:$0x3FB0]  }
0x29: {  	s4 =	sld [smem:$0x3FB2]  }
0x2a: {  	p0 =	seq.s32 s5, $0x0;
	s5 =	sld [smem:$0x3FB3]  }
0x2b: {  	s6 =	sld [smem:$0x3FB4]  }
0x2c: {  	s7 =	sld [smem:$0x3FB5]  }
0x2d: {  	s3 =	simm.s32 $0x108;
	s8 =	sld [smem:$0x3FB6]  }
0x2e: {  	s3 =	simm.s32 @!p0 $0x1082;
	s9 =	sld [smem:$0x3FB7]  }
0x2f: {  	lr =	sadd.s32 s0, s3;
	s0 =	sld [smem:$0x3FAE]  }
0x30: {  	s3 =	sld [smem:$0x3FB1]  }
0x31: {  	[smem:$0x3FBA] =	sst s10  }
0x32: {  	s10 =	sld [smem:$0x3FB8];
	_ =	sdelay $0x3  }
0x33: {  	p0 =	seq.s32 s10, $0x1;
	s10 =	sld [smem:$0x3FBA];
	_ =	sdelay $0x3  }
0x34: {  	[smem:$0x3FBA] =	sst s10  }
0x35: {  	s10 =	sld [smem:$0x3FB9];
	_ =	sdelay $0x3  }
0x36: {  	p1 =	seq.s32 s10, $0x1;
	s10 =	sld [smem:$0x3FBA];
	_ =	sdelay $0x3  }
0x37: {  	[smem:$0x3FBA] =	sst s10  }
0x38: {  	s10 =	sld [smem:$0x3FBB]  }
0x39: {  	_ = 	snop;
	(pc) =	sbr.ind lr, $3  }
0x3a: {  	_ = 	snop  }
0x3b: {  	_ = 	snop  }
0x3c: {  	p2 =	seq.s32 s10, $0x1;
	s10 =	sld [smem:$0x3FBA]  }
0x3d: {  	_ =	shalt  }
0x3e: {  	_ =	shalt  }
0x3f: {  	_ =	shalt  }
0x40: {  	_ =	shalt  }
0x41: {  	_ =	shalt  }
0x42: {  	_ =	shalt  }
0x43: {  	_ =	shalt  }
0x44: {  	_ =	shalt  }
0x45: {  	_ =	shalt  }
0x46: {  	_ =	shalt  }
0x47: {  	_ =	shalt  }
0x48: {  	_ =	shalt  }
0x49: {  	_ =	shalt  }
0x4a: {  	_ =	shalt  }
0x4b: {  	_ =	shalt  }
0x4c: {  	_ =	shalt  }
0x4d: {  	_ =	shalt  }
0x4e: {  	_ =	shalt  }
0x4f: {  	_ =	shalt  }
0x50: {  	_ =	shalt  }
0x51: {  	_ =	shalt  }
0x52: {  	_ =	shalt  }
0x53: {  	_ =	shalt  }
0x54: {  	_ =	shalt  }
0x55: {  	_ =	shalt  }
0x56: {  	_ =	shalt  }
0x57: {  	_ =	shalt  }
0x58: {  	_ =	shalt  }
0x59: {  	_ =	shalt  }
0x5a: {  	_ =	shalt  }
0x5b: {  	_ =	shalt  }
0x5c: {  	_ =	shalt  }
0x5d: {  	_ =	shalt  }
0x5e: {  	_ =	shalt  }
0x5f: {  	_ =	shalt  }
0x60: {  	_ =	shalt  }
0x61: {  	_ =	shalt  }
0x62: {  	_ =	shalt  }
0x63: {  	_ =	shalt  }
0x64: {  	_ =	shalt  }
0x65: {  	_ =	shalt  }
0x66: {  	_ =	shalt  }
0x67: {  	_ =	shalt  }
0x68: {  	_ =	shalt  }
0x69: {  	_ =	shalt  }
0x6a: {  	_ =	shalt  }
0x6b: {  	_ =	shalt  }
0x6c: {  	_ =	shalt  }
0x6d: {  	_ =	shalt  }
0x6e: {  	_ =	shalt  }
0x6f: {  	_ =	shalt  }
0x70: {  	_ =	shalt  }
0x71: {  	_ =	shalt  }
0x72: {  	_ =	shalt  }
0x73: {  	_ =	shalt  }
0x74: {  	_ =	shalt  }
0x75: {  	_ =	shalt  }
0x76: {  	_ =	shalt  }
0x77: {  	_ =	shalt  }
0x78: {  	_ =	shalt  }
0x79: {  	_ =	shalt  }
0x7a: {  	_ =	shalt  }
0x7b: {  	_ =	shalt  }
0x7c: {  	_ =	shalt  }
0x7d: {  	_ =	shalt  }
0x7e: {  	_ =	shalt  }
0x7f: {  	_ =	shalt  }
0x80: {  	_ =	shalt  }
0x81: {  	_ =	shalt  }
0x82: {  	_ =	shalt  }
0x83: {  	_ =	shalt  }
0x84: {  	_ =	shalt  }
0x85: {  	_ =	shalt  }
0x86: {  	_ =	shalt  }
0x87: {  	_ =	shalt  }
.Lfunc_end0:
.L_simem_size_0:
called_computation_lowered:
.L_overlay_start_0:
0x88: {  	s2 =	sld [smem:$0x3FD9]  }
0x89: {  	s3 =	sld [smem:$0x3FFE];
	_ =	sdelay $0x1  }
0x8a: {  	s1 =	srdreg.scid  }
0x8b: {  	s0 =	sand.u32 $0x1, s1  }
0x8c: {  	s17 =	sshll.u32 s0, $0xA;
	s2 =	sadd.s32 s3, s2  }
0x8d: {  	s2 =	sadd.s32 s2, s17  }
0x8e: {  	[smem:$0x3FC6] =	sst s2  }
0x8f: {  	_ = 	snop  }
0x90: {  	s2 =	sld [smem:$0x3FC9]  }
0x91: {  	s18 =	sld [smem:$0x3FD0];
	(tm) =	ssettm $0x1  }
0x92: {  	s4 =	sld [smem:$0x3FFB];
	_ =	sdelay $0x3  }
0x93: {  	_ =	strace s4  }
0x94: {  	s4 =	sld [smem:$0x3FFC];
	_ =	sdelay $0x3  }
0x95: {  	_ =	strace s4  }
0x96: {  	s4 =	sld [smem:$0x3FFD];
	_ =	sdelay $0x3  }
0x97: {  	_ =	strace s4  }
0x98: {  	_ =	strace $0x8FFFFFFF  }
0x99: {  	s19 =	sld [smem:$0x3FDB];
	_ =	sdelay $0x1  }
0x9a: {  	s5 =	simm.s32 $_scs_section_size  }
0x9b: {  	s6 =	simm.s32 $_size__tile_overlayer_lowered;
	s7 =	simm.s32 $_tile_overlayer_lowered  }
0x9c: {  	s22 =	simm.s32 $0x1BFF;
	s21 =	sshll.u32 s7, $0x1;
	s4 =	sadd.s32 s5, s19  }
0x9d: {  	s8 =	simm.s32 $0x0;
	s20 =	sshll.u32 s6, $0x1;
	s6 =	sadd.s32 s21, s4  }
0x9e: {  	[timem:s8], [sflag:s22] =	dma.local [hbm:s6], s20  }
0x9f: {  	_ =	swait.ge [sflag:s22], s20  }
0xa0: {  	s5 =	ssub.s32 $0x0, s20;
	[sflag:s22] =	ssyncset.done $0x0  }
0xa1: {  	[sflag:s22] =	ssyncadd.s32 s5;
	_ =	sdelay $0x1  }
0xa2: {  	s23 =	simm.s32 $0x1B8B  }
0xa3: {  	_ =	swait.ge [sflag:s23], $0x1  }
0xa4: {  	[sflag:s23] =	ssyncset.done $0x0  }
0xa5: {  	s25 =	simm.s32 $0x1B8E;
	s24 =	sld [smem:$0x3FFE];
	[sflag:s23] =	ssyncadd.s32 $0xFFFFFFFF  }
0xa6: {  	s26 =	simm.s32 $execute0_lowered;
	[smem:$0x3FD2] =	sst s25  }
0xa7: {  	s6 =	sshll.u32 s26, $0x1;
	_ =	strace $0x80000046;
	[dreg:$0x1] =	wrdreg $0xFFFFFFFF  }
0xa8: {  	s28 =	simm.s32 $_size_execute0_lowered;
	s4 =	sadd.s32 s4, s6;
	[dreg:$0x0] =	wrdreg $0x0  }
0xa9: {  	s6 =	sshll.u32 s28, $0x1;
	[dreg:$0x2] =	wrdreg s4  }
0xaa: {  	[dreg:$0x3] =	wrdreg s6  }
0xab: {  	[dreg:$0x4] =	wrdreg $0xC0  }
0xac: {  	_ =	task [dreg:s8], $0x5FFFF  }
0xad: {  	[dreg:$0x1] =	wrdreg $0xFFFFFFFF  }
0xae: {  	[dreg:$0x0] =	wrdreg $0x60  }
0xaf: {  	[dreg:$0x2] =	wrdreg s2  }
0xb0: {  	[dreg:$0x3] =	wrdreg s24  }
0xb1: {  	[dreg:$0x4] =	wrdreg s18  }
0xb2: {  	[dreg:$0x5] =	wrdreg $0x9  }
0xb3: {  	_ =	task.clear_ibuf [dreg:s8], $0x6FFFF;
	_ =	strace $0x90000046  }
0xb4: {  	s29 =	simm.s32 $0x9;
	_ =	strace $0x80000048  }
0xb5: {  	_ =	swait.ge [sflag:s29], $0x1  }
0xb6: {  	[sflag:s29] =	ssyncadd.s32 $0xFFFFFFFF  }
0xb7: {  	_ =	strace $0x90000048  }
0xb8: {  	_ =	sfence  }
0xb9: {  	s30 =	sld [smem:$0x0];
	_ =	sdelay $0x2  }
0xba: {  	s31 =	sshll.u32 s1, $0xD;
	s1 =	sshrl.u32 s1, $0x2  }
0xbb: {  	s3 =	sand.u32 $0x4000, s31;
	s1 =	sadd.s32 s1, s30  }
0xbc: {  	s0 =	sor.u32 s3, s0;
	s1 =	sshll.u32 s1, $0x11  }
0xbd: {  	s0 =	sor.u32 s1, s0  }
0xbe: {  	s0 =	sadd.s32 $0x8F2B, s0  }
0xbf: {  	[sflag:s0] =	ssyncadd.remote.s32 $0x1  }
0xc0: {  	_ =	sfence.sel $0xFFFF  }
0xc1: {  	[dreg:$0x0] =	wrdreg $0xFFFFFFFF;
	(pc) =	sbr.abs _section_cstart, $3  }
0xc2: {  	[dreg:$0x1] =	wrdreg $0xFFFFFFFF  }
0xc3: {  	_ =	task.clear_ibuf [dreg:s8], $0x2FFFF;
	_ =	strace $0x9FFFFFFF  }
0xc4: {  	(tm) =	ssettm $0x7FFFFFFF  }
0xc5: {  	_ =	shalt  }
tec
execute0_lowered:
.L_overlay_start_1:
0x0: {  	(tag) =	ssettag $0x1  }
0x1: {  	s0 =	rddreg [dreg:$0x0]  }
0x2: {  	s3 =	rddreg [dreg:$0x1]  }
0x3: {  	s6 =	rddreg [dreg:$0x2];
	s2 =	simm.s32 $0x0;
	s4 =	srdreg.scid  }
0x4: {  	s1 =	stileid.u32;
	s11 =	simm.s32 $0x5;
	s12 =	simm.s32 $0x1  }
0x5: {  	s14 =	simm.s32 $0x2;
	s16 =	simm.s32 $0x3;
	s17 =	simm.s32 $0x4  }
0x6: {  	s18 =	simm.s32 $0x0;
	s4 =	sand.u32 $0x1, s4;
	s5 =	sshll.u32 s1, $0x1  }
0x7: {  	[smem:$0x7FF] =	sst s2;
	s3 =	sadd.s32 $0x400, s3;
	s5 =	sor.u32 s4, s5  }
0x8: {  	s8 =	sshll.u32 s1, $0xD;
	_ =	strace $0x80000047;
	s26 =	sshll.u32 s5, $0xC  }
0x9: {  	s7 =	ssub.s32 $0x2, s4;
	s29 =	sand.u32 $0x18000, s8;
	s9 =	sand.u32 $0x7000, s26  }
0xa: {  	s28 =	sshll.u32 s5, $0xD;
	s30 =	sshrl.u32 s7, $0x1;
	s31 =	sor.u32 s29, s9  }
0xb: {  	s4 =	sadd.s32 s0, s28;
	s8 =	ssub.s32 s7, s30;
	s6 =	sadd.s32 s6, s31  }
0xc: {  	s5 =	sadd.s32 $0x1000, s4;
	s8 =	smax.u32 s8, $0x1;
	s7 =	sadd.s32 $0x800, s6  }
.LBB2_1:
0xd: {  	s0 =	simm.s32 $0x1180  }
0xe: {  	[tilespmem:s0], [sflag:$0x1] =	stream.linear.gather [hbm4b:s4+s2], $0x8000, $0x38;
	[tilespmem:$0x19180] =	vst v63  }
0xf: {  	s25 =	simm.s32 $0x9180  }
0x10: {  	[tilespmem:s25], [sflag:$0x2] =	stream.linear.gather [hbm4b:s5+s2], $0x8000, $0x38;
	[tilespmem:$0x19180] =	vst v63  }
0x11: {  	_ = 	snop  }
0x12: {  	[tilespmem:s2], [sflag:$0x5] =	stream.linear.gather [hbm4b:s3+s2], $0x1180, $0x38;
	[tilespmem:$0x19180] =	vst v63  }
0x13: {  	s26 =	simm.s32 $0x0;
	_ =	swait.ge [sflag:s11], $0x1180  }
0x14: {  	s19 =	simm.s32 $0x0;
	s30 =	sand.u32 $0xC00, s26;
	[sflag:s11] =	ssyncset.done $0x0  }
0x15: {  	s31 =	sand.u32 $0x3FFFFC00, s19;
	s1 =	sshrl.u32 s30, $0x2;
	[sflag:s11] =	ssyncadd.s32 $0xFFFFEE80  }
0x16: {  	s25 =	sand.u32 $0x60, s2;
	s0 =	sor.u32 s1, s31;
	_ =	swait.ge [sflag:s12], $0x8000  }
0x17: {  	s0 =	sadd.s32 $0x1180, s0;
	s26 =	sor.u32 $0x10, s25;
	[sflag:s12] =	ssyncset.done $0x0  }
0x18: {  	s9 =	sor.u32 s26, s0;
	[sflag:s12] =	ssyncadd.s32 $0xFFFF8000  }
0x19: {  	v0 =	vld [tilespmem:s9+$0x80];
	_ =	sdelay $0x1  }
0x1a: {  	v1 =	vld [tilespmem:s9+$0x0];
	_ =	sdelay $0x2  }
0x1b: {  	v0 =	vmul.f32 $6.400000000e+01, v0;
	_ =	sdelay $0x1  }
0x1c: {  	s0 =	sor.u32 s25, s0;
	v1 =	vmul.f32 $6.400000000e+01, v1;
	v0 =	vadd.f32 $5.000000000e-01, v0  }
0x1d: {  	s10 =	simm.s32 $0x100;
	v2 =	vld [tilespmem:s0+$0x80]  }
0x1e: {  	s20 =	simm.s32 $0x40;
	v4 =	vld [tilespmem:s0+$0x0];
	s0 =	sand.u32 $0xC00, s10;
	v1 =	vadd.f32 $5.000000000e-01, v1;
	v3 =	vtrunc.f32 v0  }
0x1f: {  	s21 =	simm.s32 $0x20;
	s13 =	sand.u32 $0x3FFFFC00, s20;
	s15 =	sshrl.u32 s0, $0x2;
	v3 =	vcvt.f32.s32 v3  }
0x20: {  	s28 =	sand.u32 $0x60, s21;
	s19 =	sor.u32 s15, s13;
	v5 =	vtrunc.f32 v1  }
0x21: {  	s31 =	sor.u32 $0x10, s28;
	s19 =	sadd.s32 $0x1180, s19;
	v5 =	vcvt.f32.s32 v5;
	v6 =	vmul.u32 $0x42, v3  }
0x22: {  	s21 =	sor.u32 s31, s19  }
0x23: {  	v2 =	vmul.f32 $6.400000000e+01, v2;
	v4 =	vmul.f32 $6.400000000e+01, v4;
	v9 =	vld [tilespmem:s21+$0x0];
	v6 =	vadd.s32 v5, v6  }
0x24: {  	v11 =	vld [tilespmem:s21+$0x80];
	v7 =	vadd.s32 $0x1, v6  }
0x25: {  	v2 =	vadd.f32 $5.000000000e-01, v2;
	v4 =	vadd.f32 $5.000000000e-01, v4;
	v8 =	vadd.s32 $0x42, v6  }
0x26: {  	v10 =	vadd.s32 $0x43, v6  }
0x27: {  	v12 =	vtrunc.f32 v2;
	v13 =	vtrunc.f32 v4  }
0x28: {  	v12 =	vcvt.f32.s32 v12;
	v9 =	vmul.f32 $6.400000000e+01, v9;
	v6 =	vld.idx.msk [tilespmem:v6+s2+$0x0], $0xffff  }
0x29: {  	v13 =	vcvt.f32.s32 v13;
	v11 =	vmul.f32 $6.400000000e+01, v11;
	v7 =	vld.idx.msk [tilespmem:v7+s2+$0x0], $0xffff  }
0x2a: {  	v14 =	vmul.u32 $0x42, v12;
	v12 =	vcvt.s32.f32 v12;
	v9 =	vadd.f32 $5.000000000e-01, v9;
	v8 =	vld.idx.msk [tilespmem:v8+s2+$0x0], $0xffff  }
0x2b: {  	s19 =	sor.u32 s28, s19;
	v15 =	vcvt.s32.f32 v13;
	v11 =	vadd.f32 $5.000000000e-01, v11;
	v3 =	vcvt.s32.f32 v3;
	v10 =	vld.idx.msk [tilespmem:v10+s2+$0x0], $0xffff  }
0x2c: {  	v13 =	vadd.s32 v13, v14;
	v14 =	vld [tilespmem:s19+$0x80];
	v5 =	vcvt.s32.f32 v5;
	v20 =	vtrunc.f32 v9  }
0x2d: {  	v19 =	vld [tilespmem:s19+$0x0];
	v21 =	vtrunc.f32 v11;
	v0 =	vsub.f32 v0, v3;
	v16 =	vadd.s32 $0x1, v13  }
0x2e: {  	v17 =	vadd.s32 $0x42, v13;
	v1 =	vsub.f32 v1, v5;
	v5 =	vcvt.f32.s32 v21  }
0x2f: {  	s22 =	simm.s32 $0x200;
	v25 =	vsub.f32 v2, v12;
	v18 =	vadd.s32 $0x43, v13;
	v7 =	vsub.f32 v7, v6  }
0x30: {  	s23 =	simm.s32 $0x80;
	s20 =	sand.u32 $0xC00, s22;
	v20 =	vcvt.f32.s32 v20;
	v21 =	vmul.u32 $0x42, v5;
	v10 =	vsub.f32 v10, v8  }
0x31: {  	s24 =	simm.s32 $0x40;
	s22 =	sshrl.u32 s20, $0x2;
	s21 =	sand.u32 $0x3FFFFC00, s23;
	v2 =	vsub.f32 v4, v15;
	v14 =	vmul.f32 $6.400000000e+01, v14;
	v13 =	vld.idx.msk [tilespmem:v13+s2+$0x0], $0xffff;
	v7 =	vmul.f32 v1, v7  }
0x32: {  	s21 =	sor.u32 s22, s21;
	s19 =	sand.u32 $0x60, s24;
	v1 =	vmul.f32 v10, v1;
	v10 =	vld.idx.msk [tilespmem:v16+s2+$0x0], $0xffff;
	v16 =	vmul.f32 $6.400000000e+01, v19;
	v19 =	vadd.s32 v20, v21  }
0x33: {  	s22 =	sadd.s32 $0x1180, s21;
	s21 =	sor.u32 $0x10, s19;
	v17 =	vld.idx.msk [tilespmem:v17+s2+$0x0], $0xffff;
	v14 =	vadd.f32 $5.000000000e-01, v14;
	v6 =	vadd.f32 v7, v6  }
0x34: {  	s23 =	sor.u32 s21, s22;
	v1 =	vadd.f32 v1, v8;
	v7 =	vld.idx.msk [tilespmem:v18+s2+$0x0], $0xffff;
	v8 =	vadd.f32 $5.000000000e-01, v16;
	v18 =	vadd.s32 $0x1, v19  }
0x35: {  	v3 =	vld [tilespmem:s23+$0x0];
	v21 =	vadd.s32 $0x42, v19;
	v23 =	vadd.s32 $0x43, v19;
	v16 =	vtrunc.f32 v14  }
0x36: {  	v24 =	vld [tilespmem:s23+$0x80];
	v16 =	vcvt.f32.s32 v16;
	v1 =	vsub.f32 v1, v6;
	v22 =	vtrunc.f32 v8  }
0x37: {  	s22 =	sor.u32 s19, s22;
	v5 =	vcvt.s32.f32 v5;
	v4 =	vcvt.f32.s32 v22;
	v10 =	vsub.f32 v10, v13;
	v12 =	vld.idx.msk [tilespmem:v19+s2+$0x0], $0xffff  }
0x38: {  	v15 =	vmul.u32 $0x42, v16;
	v19 =	vld [tilespmem:s22+$0x80];
	v0 =	vmul.f32 v1, v0;
	v1 =	vcvt.s32.f32 v16  }
0x39: {  	v7 =	vsub.f32 v7, v17;
	v16 =	vcvt.s32.f32 v4;
	v18 =	vld.idx.msk [tilespmem:v18+s2+$0x0], $0xffff;
	v10 =	vmul.f32 v2, v10  }
0x3a: {  	v4 =	vadd.s32 v4, v15;
	v22 =	vadd.f32 v0, v6;
	v0 =	vsub.f32 v14, v1;
	v6 =	vld.idx.msk [tilespmem:v21+s2+$0x0], $0xffff  }
0x3b: {  	v14 =	vld.idx.msk [tilespmem:v23+s2+$0x0], $0xffff;
	v1 =	vmul.f32 $6.400000000e+01, v3;
	v3 =	vmul.f32 $6.400000000e+01, v24;
	v15 =	vadd.s32 $0x42, v4  }
0x3c: {  	v2 =	vmul.f32 v7, v2;
	v7 =	vadd.s32 $0x1, v4;
	v13 =	vadd.f32 v10, v13  }
0x3d: {  	v23 =	vadd.f32 $5.000000000e-01, v1;
	v1 =	vadd.f32 $5.000000000e-01, v3;
	v3 =	vcvt.s32.f32 v20  }
0x3e: {  	v21 =	vld [tilespmem:s22+$0x0];
	v16 =	vsub.f32 v8, v16;
	v20 =	vadd.s32 $0x43, v4;
	v8 =	vmul.f32 $6.400000000e+01, v19  }
0x3f: {  	v10 =	vadd.f32 v2, v17;
	v17 =	vtrunc.f32 v23;
	v3 =	vsub.f32 v9, v3  }
0x40: {  	s1 =	simm.s32 $0x300;
	v2 =	vtrunc.f32 v1;
	v9 =	vsub.f32 v18, v12;
	v14 =	vsub.f32 v14, v6  }
0x41: {  	s9 =	simm.s32 $0xC0;
	v5 =	vsub.f32 v11, v5;
	s22 =	sand.u32 $0xC00, s1;
	v4 =	vld.idx.msk [tilespmem:v4+s2+$0x0], $0xffff;
	v2 =	vcvt.f32.s32 v2;
	v17 =	vcvt.f32.s32 v17  }
0x42: {  	s29 =	simm.s32 $0x60;
	s24 =	sand.u32 $0x3FFFFC00, s9;
	s1 =	sshrl.u32 s22, $0x2;
	v19 =	vadd.f32 $5.000000000e-01, v8;
	v9 =	vmul.f32 v3, v9;
	v7 =	vld.idx.msk [tilespmem:v7+s2+$0x0], $0xffff;
	v3 =	vmul.f32 v14, v3  }
0x43: {  	s23 =	sand.u32 $0x60, s29;
	s1 =	sor.u32 s1, s24;
	v18 =	vsub.f32 v10, v13;
	v10 =	vmul.u32 $0x42, v2;
	v14 =	vmul.f32 $6.400000000e+01, v21;
	v21 =	vld.idx.msk [tilespmem:v15+s2+$0x0], $0xffff  }
0x44: {  	s24 =	sor.u32 $0x10, s23;
	s1 =	sadd.s32 $0x1180, s1;
	v9 =	vadd.f32 v9, v12;
	v3 =	vadd.f32 v3, v6;
	v6 =	vld.idx.msk [tilespmem:v20+s2+$0x0], $0xffff  }
0x45: {  	s9 =	sor.u32 s24, s1;
	v8 =	vadd.s32 v17, v10;
	v14 =	vadd.f32 $5.000000000e-01, v14;
	v10 =	vtrunc.f32 v19  }
0x46: {  	v20 =	vld [tilespmem:s9+$0x0];
	v12 =	vadd.s32 $0x1, v8;
	v11 =	vadd.s32 $0x42, v8;
	v3 =	vsub.f32 v3, v9  }
0x47: {  	v26 =	vld [tilespmem:s9+$0x80];
	v10 =	vcvt.f32.s32 v10;
	v63 =	vadd.s32 $0x43, v8;
	v15 =	vtrunc.f32 v14  }
0x48: {  	v15 =	vcvt.f32.s32 v15;
	v3 =	vmul.f32 v3, v5;
	v5 =	vsub.f32 v7, v4  }
0x49: {  	v7 =	vcvt.s32.f32 v10;
	v10 =	vmul.u32 $0x42, v10;
	v6 =	vsub.f32 v6, v21  }
0x4a: {  	s10 =	simm.s32 $0x0;
	v27 =	vadd.f32 v3, v9;
	v9 =	vcvt.s32.f32 v15;
	v5 =	vmul.f32 v16, v5  }
0x4b: {  	s1 =	sor.u32 s23, s1;
	s9 =	sand.u32 $0x3000, s10;
	v3 =	vsub.f32 v19, v7;
	v28 =	vadd.s32 v15, v10;
	v10 =	vld.idx.msk [tilespmem:v11+s2+$0x0], $0xffff;
	v11 =	vmul.f32 $6.400000000e+01, v20  }
0x4c: {  	s10 =	simm.s32 $0x0;
	s9 =	sor.u32 s30, s9;
	s30 =	simm.s32 $0x20;
	v8 =	vld.idx.msk [tilespmem:v8+s2+$0x0], $0xffff;
	v20 =	vmul.f32 $6.400000000e+01, v26;
	v7 =	vmul.f32 v6, v16;
	v29 =	vadd.s32 $0x1, v28  }
0x4d: {  	s10 =	sand.u32 $0x380, s10;
	s13 =	sand.u32 $0x3000, s30;
	s30 =	simm.s32 $0x8;
	v12 =	vld.idx.msk [tilespmem:v12+s2+$0x0], $0xffff;
	v16 =	vadd.s32 $0x42, v28;
	v6 =	vsub.f32 v14, v9;
	v4 =	vadd.f32 v5, v4  }
0x4e: {  	s9 =	sor.u32 s10, s9;
	s30 =	sand.u32 $0x380, s30;
	s0 =	sor.u32 s0, s13;
	v15 =	vld.idx.msk [tilespmem:v63+s2+$0x0], $0xffff;
	v14 =	vmul.f32 v18, v25;
	v5 =	vadd.f32 v7, v21;
	v7 =	vadd.f32 $5.000000000e-01, v11  }
0x4f: {  	s9 =	sadd.s32 $0x11180, s9;
	s0 =	sor.u32 s30, s0;
	v19 =	vld [tilespmem:s1+$0x80];
	v11 =	vadd.f32 $5.000000000e-01, v20;
	v20 =	vcvt.s32.f32 v17;
	v17 =	vadd.s32 $0x43, v28  }
0x50: {  	s15 =	sor.u32 s26, s9;
	s0 =	sadd.s32 $0x11180, s0;
	v18 =	vld [tilespmem:s1+$0x0]  }
0x51: {  	s26 =	simm.s32 $0x4;
	s25 =	sor.u32 s25, s9;
	[tilespmem:s15+$0x0] =	vst v22;
	s31 =	sor.u32 s31, s0;
	v13 =	vadd.f32 v14, v13;
	v9 =	vld.idx.msk [tilespmem:v28+s2+$0x0], $0xffff;
	v5 =	vsub.f32 v5, v4  }
0x52: {  	s30 =	simm.s32 $0x6;
	s0 =	sor.u32 s28, s0;
	s28 =	simm.s32 $0x6;
	[tilespmem:s31+$0x0] =	vst v27;
	v21 =	vtrunc.f32 v7;
	v22 =	vtrunc.f32 v11;
	v20 =	vsub.f32 v23, v20;
	v14 =	vld.idx.msk [tilespmem:v29+s2+$0x0], $0xffff  }
.LBB2_2:
0x53: {  	s30 =	sadd.s32 $0x2, s30;
	v22 =	vcvt.f32.s32 v22;
	v23 =	vld.idx.msk [tilespmem:v16+s2+$0x0], $0xffff;
	v12 =	vsub.f32 v12, v8;
	v15 =	vsub.f32 v15, v10;
	[tilespmem:s25+$0x0] =	vst v13;
	s25 =	smov.u32 s0  }
0x54: {  	v13 =	vmul.f32 $6.400000000e+01, v19;
	v21 =	vcvt.f32.s32 v21;
	s0 =	sshll.u32 s30, $0x7;
	v16 =	vld.idx.msk [tilespmem:v17+s2+$0x0], $0xffff  }
0x55: {  	s1 =	sshll.u32 s30, $0x5;
	s0 =	sand.u32 $0xC00, s0;
	v17 =	vmul.u32 $0x42, v22;
	v12 =	vmul.f32 v20, v12;
	v15 =	vmul.f32 v15, v20  }
0x56: {  	s29 =	sadd.s32 $0x20, s29;
	v19 =	vcvt.s32.f32 v2;
	v18 =	vmul.f32 $6.400000000e+01, v18;
	s1 =	sand.u32 $0x3FFFFC00, s1;
	v13 =	vadd.f32 $5.000000000e-01, v13;
	v2 =	vmovc v22;
	s9 =	sshrl.u32 s0, $0x2  }
0x57: {  	s31 =	sand.u32 $0x60, s29;
	p0 =	slt.u32 s30, $0x3FE;
	s1 =	sor.u32 s9, s1;
	v17 =	vadd.s32 v21, v17;
	v20 =	vadd.f32 v12, v8;
	v8 =	vadd.f32 v15, v10  }
0x58: {  	v18 =	vadd.f32 $5.000000000e-01, v18;
	s9 =	sor.u32 $0x10, s31;
	v10 =	vtrunc.f32 v13;
	s1 =	sadd.s32 $0x1180, s1;
	v12 =	vadd.s32 $0x1, v17  }
0x59: {  	s13 =	sshll.u32 s26, $0x4;
	v19 =	vsub.f32 v1, v19;
	v1 =	vmovc v11;
	v15 =	vadd.s32 $0x42, v17;
	s10 =	sor.u32 s31, s1;
	s1 =	sor.u32 s9, s1;
	v8 =	vsub.f32 v8, v20  }
0x5a: {  	s15 =	sshll.u32 s26, $0x2;
	s26 =	smov.u32 s28;
	s13 =	sand.u32 $0x3000, s13;
	v22 =	vtrunc.f32 v18;
	v10 =	vcvt.f32.s32 v10;
	v24 =	vadd.s32 $0x43, v17;
	v11 =	vld [tilespmem:s1+$0x0]  }
0x5b: {  	s28 =	smov.u32 s30;
	s13 =	sor.u32 s20, s13;
	v14 =	vsub.f32 v14, v9;
	v22 =	vcvt.f32.s32 v22;
	v25 =	vld [tilespmem:s1+$0x80];
	s1 =	sand.u32 $0x380, s15;
	v19 =	vmul.f32 v8, v19  }
0x5c: {  	s20 =	smov.u32 s22;
	s22 =	smov.u32 s0;
	v16 =	vsub.f32 v16, v23;
	v26 =	vcvt.s32.f32 v10;
	v10 =	vmul.u32 $0x42, v10;
	v8 =	vld.idx.msk [tilespmem:v17+s2+$0x0], $0xffff;
	s1 =	sor.u32 s1, s13  }
0x5d: {  	v14 =	vmul.f32 v6, v14;
	v27 =	vcvt.s32.f32 v22;
	v12 =	vld.idx.msk [tilespmem:v12+s2+$0x0], $0xffff;
	s1 =	sadd.s32 $0x11180, s1;
	v19 =	vadd.f32 v19, v20  }
0x5e: {  	v13 =	vsub.f32 v13, v26;
	v20 =	vadd.s32 v22, v10;
	v22 =	vmul.f32 v16, v6;
	v10 =	vld.idx.msk [tilespmem:v15+s2+$0x0], $0xffff;
	s0 =	sor.u32 s19, s1;
	s1 =	sor.u32 s21, s1;
	s19 =	smov.u32 s23  }
0x5f: {  	v26 =	vadd.s32 $0x1, v20;
	v16 =	vadd.s32 $0x42, v20;
	v17 =	vadd.s32 $0x43, v20;
	s23 =	smov.u32 s31;
	s21 =	smov.u32 s24;
	s24 =	smov.u32 s9;
	v15 =	vld.idx.msk [tilespmem:v24+s2+$0x0], $0xffff;
	[tilespmem:s1+$0x0] =	vst v19  }
.Ltmp0:
0x60: {  	v6 =	vsub.f32 v18, v27;
	v11 =	vmul.f32 $6.400000000e+01, v11;
	v19 =	vld [tilespmem:s10+$0x80];
	v24 =	vmul.f32 $6.400000000e+01, v25;
	(pc) =	sbr.rel @p0 .LBB2_2-.Ltmp0, $4  }
0x61: {  	v14 =	vadd.f32 v14, v9;
	v22 =	vadd.f32 v22, v23;
	v23 =	vmul.f32 v5, v0;
	v0 =	vmovc v3;
	v18 =	vld [tilespmem:s10+$0x0]  }
0x62: {  	v3 =	vmovc v13;
	v25 =	vadd.f32 $5.000000000e-01, v11;
	v11 =	vadd.f32 $5.000000000e-01, v24;
	v24 =	vcvt.s32.f32 v21  }
0x63: {  	v5 =	vsub.f32 v22, v14;
	v13 =	vadd.f32 v23, v4;
	v4 =	vmov v14;
	v9 =	vld.idx.msk [tilespmem:v20+s2+$0x0], $0xffff  }
0x64: {  	v21 =	vtrunc.f32 v25;
	v22 =	vtrunc.f32 v11;
	v14 =	vld.idx.msk [tilespmem:v26+s2+$0x0], $0xffff;
	v20 =	vsub.f32 v7, v24;
	v7 =	vmovc v25  }
0x65: {  	v19 =	vmul.f32 $6.400000000e+01, v19  }
0x66: {  	v22 =	vcvt.f32.s32 v22  }
0x67: {  	v18 =	vmul.f32 $6.400000000e+01, v18;
	v19 =	vadd.f32 $5.000000000e-01, v19  }
0x68: {  	v21 =	vcvt.f32.s32 v21;
	v23 =	vmul.u32 $0x42, v22  }
0x69: {  	v18 =	vadd.f32 $5.000000000e-01, v18;
	v24 =	vtrunc.f32 v19  }
0x6a: {  	v23 =	vadd.s32 v21, v23;
	v24 =	vcvt.f32.s32 v24  }
0x6b: {  	v25 =	vadd.s32 $0x1, v23;
	v26 =	vtrunc.f32 v18  }
0x6c: {  	v27 =	vadd.s32 $0x42, v23;
	v26 =	vcvt.f32.s32 v26;
	v28 =	vmul.u32 $0x42, v24  }
0x6d: {  	v16 =	vld.idx.msk [tilespmem:v16+s2+$0x0], $0xffff;
	v29 =	vadd.s32 $0x43, v23  }
0x6e: {  	v17 =	vld.idx.msk [tilespmem:v17+s2+$0x0], $0xffff;
	v28 =	vadd.s32 v26, v28  }
0x6f: {  	v23 =	vld.idx.msk [tilespmem:v23+s2+$0x0], $0xffff;
	v30 =	vadd.s32 $0x1, v28  }
0x70: {  	v12 =	vsub.f32 v12, v8;
	v25 =	vld.idx.msk [tilespmem:v25+s2+$0x0], $0xffff;
	v31 =	vadd.s32 $0x42, v28  }
0x71: {  	v15 =	vsub.f32 v15, v10;
	v27 =	vld.idx.msk [tilespmem:v27+s2+$0x0], $0xffff;
	v32 =	vadd.s32 $0x43, v28  }
0x72: {  	v12 =	vmul.f32 v20, v12;
	v29 =	vld.idx.msk [tilespmem:v29+s2+$0x0], $0xffff  }
0x73: {  	v15 =	vmul.f32 v15, v20;
	v20 =	vld.idx.msk [tilespmem:v28+s2+$0x0], $0xffff  }
0x74: {  	v2 =	vcvt.s32.f32 v2;
	v8 =	vadd.f32 v12, v8;
	v12 =	vld.idx.msk [tilespmem:v30+s2+$0x0], $0xffff  }
0x75: {  	v10 =	vadd.f32 v15, v10;
	v21 =	vcvt.s32.f32 v21;
	v15 =	vcvt.s32.f32 v26;
	v56 =	vld.idx.msk [tilespmem:v31+s2+$0x0], $0xffff  }
0x76: {  	v1 =	vsub.f32 v1, v2;
	v2 =	vsub.f32 v14, v9;
	v14 =	vld.idx.msk [tilespmem:v32+s2+$0x0], $0xffff  }
0x77: {  	v7 =	vsub.f32 v7, v21;
	v15 =	vsub.f32 v18, v15  }
0x78: {  	v2 =	vmul.f32 v6, v2;
	v18 =	vsub.f32 v25, v23;
	v21 =	vsub.f32 v29, v27  }
0x79: {  	v17 =	vsub.f32 v17, v16;
	v10 =	vsub.f32 v10, v8  }
0x7a: {  	v2 =	vadd.f32 v2, v9;
	v9 =	vmul.f32 v7, v18;
	v7 =	vmul.f32 v21, v7  }
0x7b: {  	v6 =	vmul.f32 v17, v6;
	v12 =	vsub.f32 v12, v20;
	v14 =	vsub.f32 v14, v56  }
0x7c: {  	v17 =	vcvt.s32.f32 v22;
	v9 =	vadd.f32 v9, v23;
	v7 =	vadd.f32 v7, v27  }
0x7d: {  	s1 =	sshll.u32 s26, $0x4;
	v6 =	vadd.f32 v6, v16;
	v12 =	vmul.f32 v15, v12;
	v14 =	vmul.f32 v14, v15  }
0x7e: {  	s9 =	sshll.u32 s26, $0x2;
	s1 =	sand.u32 $0x3000, s1;
	v1 =	vmul.f32 v10, v1;
	v10 =	vsub.f32 v11, v17;
	v7 =	vsub.f32 v7, v9  }
0x7f: {  	s10 =	sshll.u32 s28, $0x4;
	s9 =	sand.u32 $0x380, s9;
	s1 =	sor.u32 s20, s1;
	v11 =	vcvt.s32.f32 v24;
	v12 =	vadd.f32 v12, v20;
	v14 =	vadd.f32 v14, v56  }
0x80: {  	v0 =	vmul.f32 v5, v0;
	s15 =	sand.u32 $0x3000, s10;
	s20 =	sshll.u32 s28, $0x2;
	s1 =	sor.u32 s9, s1;
	v1 =	vadd.f32 v1, v8;
	v5 =	vsub.f32 v6, v2  }
0x81: {  	s10 =	sand.u32 $0x380, s20;
	s9 =	sor.u32 s22, s15;
	s1 =	sadd.s32 $0x11180, s1;
	v6 =	vsub.f32 v19, v11;
	v7 =	vmul.f32 v7, v10;
	v8 =	vsub.f32 v14, v12  }
0x82: {  	[tilespmem:s25+$0x0] =	vst v13;
	v0 =	vadd.f32 v0, v4;
	s9 =	sor.u32 s10, s9;
	s13 =	sor.u32 s21, s1;
	v3 =	vmul.f32 v5, v3  }
0x83: {  	s9 =	sadd.s32 $0x11180, s9;
	[tilespmem:s13+$0x0] =	vst v1;
	v1 =	vadd.f32 v7, v9;
	v4 =	vmul.f32 v8, v6  }
0x84: {  	[tilespmem:s0+$0x0] =	vst v0;
	s22 =	sor.u32 s24, s9;
	v0 =	vadd.f32 v3, v2  }
0x85: {  	s25 =	simm.s32 $0x11180;
	s26 =	simm.s32 $0x0;
	s1 =	sor.u32 s19, s1;
	[tilespmem:s22+$0x0] =	vst v1;
	v1 =	vadd.f32 v4, v12  }
0x86: {  	s31 =	simm.s32 $0x0;
	s30 =	sand.u32 $0xC00, s26;
	s23 =	sor.u32 s23, s9;
	[tilespmem:s1+$0x0] =	vst v0  }
0x87: {  	s10 =	sshrl.u32 s30, $0x2;
	s24 =	simm.s32 $0x0;
	s9 =	sand.u32 $0x3FFFFC00, s31;
	[tilespmem:s23+$0x0] =	vst v1  }
0x88: {  	[hbm4b:s6+s24] =	stream.linear.scatter [tilespmem:s25], [sflag:$0x3], $0x4000, $0x38;
	[tilespmem:$0x19180] =	vst v63  }
0x89: {  	s13 =	sor.u32 s10, s9;
	s25 =	sand.u32 $0x60, s24;
	_ =	swait.ge [sflag:s14], $0x8000  }
0x8a: {  	s0 =	sadd.s32 $0x9180, s13;
	s26 =	sor.u32 $0x10, s25;
	[sflag:s14] =	ssyncset.done $0x0  }
0x8b: {  	s15 =	sor.u32 s26, s0;
	[sflag:s14] =	ssyncadd.s32 $0xFFFF8000  }
0x8c: {  	v0 =	vld [tilespmem:s15+$0x80];
	_ =	sdelay $0x1  }
0x8d: {  	v1 =	vld [tilespmem:s15+$0x0];
	_ =	sdelay $0x2  }
0x8e: {  	v0 =	vmul.f32 $6.400000000e+01, v0;
	_ =	sdelay $0x1  }
0x8f: {  	s0 =	sor.u32 s25, s0;
	v1 =	vmul.f32 $6.400000000e+01, v1;
	v0 =	vadd.f32 $5.000000000e-01, v0  }
0x90: {  	s19 =	simm.s32 $0x100;
	v2 =	vld [tilespmem:s0+$0x80]  }
0x91: {  	s20 =	simm.s32 $0x40;
	v4 =	vld [tilespmem:s0+$0x0];
	s0 =	sand.u32 $0xC00, s19;
	v1 =	vadd.f32 $5.000000000e-01, v1;
	v3 =	vtrunc.f32 v0  }
0x92: {  	s21 =	sand.u32 $0x3FFFFC00, s20;
	s23 =	simm.s32 $0x20;
	s22 =	sshrl.u32 s0, $0x2;
	v3 =	vcvt.f32.s32 v3  }
0x93: {  	s28 =	sand.u32 $0x60, s23;
	s1 =	sor.u32 s22, s21;
	v5 =	vtrunc.f32 v1  }
0x94: {  	s31 =	sor.u32 $0x10, s28;
	s1 =	sadd.s32 $0x9180, s1;
	v5 =	vcvt.f32.s32 v5;
	v6 =	vmul.u32 $0x42, v3  }
0x95: {  	s24 =	sor.u32 s31, s1  }
0x96: {  	v2 =	vmul.f32 $6.400000000e+01, v2;
	v4 =	vmul.f32 $6.400000000e+01, v4;
	v9 =	vld [tilespmem:s24+$0x0];
	v6 =	vadd.s32 v5, v6  }
0x97: {  	v11 =	vld [tilespmem:s24+$0x80];
	v7 =	vadd.s32 $0x1, v6  }
0x98: {  	v2 =	vadd.f32 $5.000000000e-01, v2;
	v4 =	vadd.f32 $5.000000000e-01, v4;
	v8 =	vadd.s32 $0x42, v6  }
0x99: {  	v10 =	vadd.s32 $0x43, v6  }
0x9a: {  	v12 =	vtrunc.f32 v2;
	v13 =	vtrunc.f32 v4  }
0x9b: {  	v12 =	vcvt.f32.s32 v12;
	v9 =	vmul.f32 $6.400000000e+01, v9;
	v6 =	vld.idx.msk [tilespmem:v6+s2+$0x0], $0xffff  }
0x9c: {  	v13 =	vcvt.f32.s32 v13;
	v11 =	vmul.f32 $6.400000000e+01, v11;
	v7 =	vld.idx.msk [tilespmem:v7+s2+$0x0], $0xffff  }
0x9d: {  	v14 =	vmul.u32 $0x42, v12;
	v12 =	vcvt.s32.f32 v12;
	v9 =	vadd.f32 $5.000000000e-01, v9;
	v8 =	vld.idx.msk [tilespmem:v8+s2+$0x0], $0xffff  }
0x9e: {  	s1 =	sor.u32 s28, s1;
	v15 =	vcvt.s32.f32 v13;
	v11 =	vadd.f32 $5.000000000e-01, v11;
	v3 =	vcvt.s32.f32 v3;
	v10 =	vld.idx.msk [tilespmem:v10+s2+$0x0], $0xffff  }
0x9f: {  	v13 =	vadd.s32 v13, v14;
	v14 =	vld [tilespmem:s1+$0x80];
	v5 =	vcvt.s32.f32 v5;
	v20 =	vtrunc.f32 v9  }
0xa0: {  	v19 =	vld [tilespmem:s1+$0x0];
	v21 =	vtrunc.f32 v11;
	v0 =	vsub.f32 v0, v3;
	v16 =	vadd.s32 $0x1, v13  }
0xa1: {  	v17 =	vadd.s32 $0x42, v13;
	v1 =	vsub.f32 v1, v5;
	v5 =	vcvt.f32.s32 v21  }
0xa2: {  	s9 =	simm.s32 $0x200;
	v58 =	vsub.f32 v2, v12;
	v18 =	vadd.s32 $0x43, v13;
	v7 =	vsub.f32 v7, v6  }
0xa3: {  	s10 =	simm.s32 $0x80;
	s20 =	sand.u32 $0xC00, s9;
	v20 =	vcvt.f32.s32 v20;
	v21 =	vmul.u32 $0x42, v5;
	v10 =	vsub.f32 v10, v8  }
0xa4: {  	s13 =	sand.u32 $0x3FFFFC00, s10;
	s15 =	sshrl.u32 s20, $0x2;
	s21 =	simm.s32 $0x40;
	v2 =	vsub.f32 v4, v15;
	v14 =	vmul.f32 $6.400000000e+01, v14;
	v13 =	vld.idx.msk [tilespmem:v13+s2+$0x0], $0xffff;
	v7 =	vmul.f32 v1, v7  }
0xa5: {  	s19 =	sand.u32 $0x60, s21;
	s1 =	sor.u32 s15, s13;
	v1 =	vmul.f32 v10, v1;
	v10 =	vld.idx.msk [tilespmem:v16+s2+$0x0], $0xffff;
	v16 =	vmul.f32 $6.400000000e+01, v19;
	v19 =	vadd.s32 v20, v21  }
0xa6: {  	s21 =	sor.u32 $0x10, s19;
	s1 =	sadd.s32 $0x9180, s1;
	v17 =	vld.idx.msk [tilespmem:v17+s2+$0x0], $0xffff;
	v14 =	vadd.f32 $5.000000000e-01, v14;
	v6 =	vadd.f32 v7, v6  }
0xa7: {  	s22 =	sor.u32 s21, s1;
	v1 =	vadd.f32 v1, v8;
	v7 =	vld.idx.msk [tilespmem:v18+s2+$0x0], $0xffff;
	v8 =	vadd.f32 $5.000000000e-01, v16;
	v18 =	vadd.s32 $0x1, v19  }
0xa8: {  	v3 =	vld [tilespmem:s22+$0x0];
	v21 =	vadd.s32 $0x42, v19;
	v23 =	vadd.s32 $0x43, v19;
	v16 =	vtrunc.f32 v14  }
0xa9: {  	v57 =	vld [tilespmem:s22+$0x80];
	v16 =	vcvt.f32.s32 v16;
	v1 =	vsub.f32 v1, v6;
	v22 =	vtrunc.f32 v8  }
0xaa: {  	s1 =	sor.u32 s19, s1;
	v5 =	vcvt.s32.f32 v5;
	v4 =	vcvt.f32.s32 v22;
	v10 =	vsub.f32 v10, v13;
	v12 =	vld.idx.msk [tilespmem:v19+s2+$0x0], $0xffff  }
0xab: {  	v15 =	vmul.u32 $0x42, v16;
	v19 =	vld [tilespmem:s1+$0x80];
	v0 =	vmul.f32 v1, v0;
	v1 =	vcvt.s32.f32 v16  }
0xac: {  	v7 =	vsub.f32 v7, v17;
	v16 =	vcvt.s32.f32 v4;
	v18 =	vld.idx.msk [tilespmem:v18+s2+$0x0], $0xffff;
	v10 =	vmul.f32 v2, v10  }
0xad: {  	v4 =	vadd.s32 v4, v15;
	v22 =	vadd.f32 v0, v6;
	v0 =	vsub.f32 v14, v1;
	v6 =	vld.idx.msk [tilespmem:v21+s2+$0x0], $0xffff  }
0xae: {  	v14 =	vld.idx.msk [tilespmem:v23+s2+$0x0], $0xffff;
	v1 =	vmul.f32 $6.400000000e+01, v3;
	v3 =	vmul.f32 $6.400000000e+01, v57;
	v15 =	vadd.s32 $0x42, v4  }
0xaf: {  	v2 =	vmul.f32 v7, v2;
	v7 =	vadd.s32 $0x1, v4;
	v13 =	vadd.f32 v10, v13  }
0xb0: {  	v23 =	vadd.f32 $5.000000000e-01, v1;
	v1 =	vadd.f32 $5.000000000e-01, v3;
	v3 =	vcvt.s32.f32 v20  }
0xb1: {  	v21 =	vld [tilespmem:s1+$0x0];
	v16 =	vsub.f32 v8, v16;
	v20 =	vadd.s32 $0x43, v4;
	v8 =	vmul.f32 $6.400000000e+01, v19  }
0xb2: {  	v10 =	vadd.f32 v2, v17;
	v17 =	vtrunc.f32 v23;
	v3 =	vsub.f32 v9, v3  }
0xb3: {  	s23 =	simm.s32 $0x300;
	v2 =	vtrunc.f32 v1;
	v9 =	vsub.f32 v18, v12;
	v14 =	vsub.f32 v14, v6  }
0xb4: {  	s24 =	simm.s32 $0xC0;
	s22 =	sand.u32 $0xC00, s23;
	v5 =	vsub.f32 v11, v5;
	v4 =	vld.idx.msk [tilespmem:v4+s2+$0x0], $0xffff;
	v2 =	vcvt.f32.s32 v2;
	v17 =	vcvt.f32.s32 v17  }
0xb5: {  	s29 =	simm.s32 $0x60;
	s10 =	sand.u32 $0x3FFFFC00, s24;
	s13 =	sshrl.u32 s22, $0x2;
	v19 =	vadd.f32 $5.000000000e-01, v8;
	v9 =	vmul.f32 v3, v9;
	v7 =	vld.idx.msk [tilespmem:v7+s2+$0x0], $0xffff;
	v3 =	vmul.f32 v14, v3  }
0xb6: {  	s23 =	sand.u32 $0x60, s29;
	s1 =	sor.u32 s13, s10;
	v18 =	vsub.f32 v10, v13;
	v10 =	vmul.u32 $0x42, v2;
	v14 =	vmul.f32 $6.400000000e+01, v21;
	v21 =	vld.idx.msk [tilespmem:v15+s2+$0x0], $0xffff  }
0xb7: {  	s24 =	sor.u32 $0x10, s23;
	s1 =	sadd.s32 $0x9180, s1;
	v9 =	vadd.f32 v9, v12;
	v3 =	vadd.f32 v3, v6;
	v6 =	vld.idx.msk [tilespmem:v20+s2+$0x0], $0xffff  }
0xb8: {  	s15 =	sor.u32 s24, s1;
	v8 =	vadd.s32 v17, v10;
	v14 =	vadd.f32 $5.000000000e-01, v14;
	v10 =	vtrunc.f32 v19  }
0xb9: {  	v20 =	vld [tilespmem:s15+$0x0];
	v12 =	vadd.s32 $0x1, v8;
	v11 =	vadd.s32 $0x42, v8;
	v3 =	vsub.f32 v3, v9  }
0xba: {  	v60 =	vld [tilespmem:s15+$0x80];
	v10 =	vcvt.f32.s32 v10;
	v59 =	vadd.s32 $0x43, v8;
	v15 =	vtrunc.f32 v14  }
0xbb: {  	v15 =	vcvt.f32.s32 v15;
	v3 =	vmul.f32 v3, v5;
	v5 =	vsub.f32 v7, v4  }
0xbc: {  	v7 =	vcvt.s32.f32 v10;
	v10 =	vmul.u32 $0x42, v10;
	v6 =	vsub.f32 v6, v21  }
0xbd: {  	s10 =	simm.s32 $0x0;
	v61 =	vadd.f32 v3, v9;
	v9 =	vcvt.s32.f32 v15;
	v5 =	vmul.f32 v16, v5  }
0xbe: {  	s13 =	simm.s32 $0x0;
	s9 =	sand.u32 $0x3000, s10;
	v3 =	vsub.f32 v19, v7;
	v62 =	vadd.s32 v15, v10;
	v10 =	vld.idx.msk [tilespmem:v11+s2+$0x0], $0xffff;
	v11 =	vmul.f32 $6.400000000e+01, v20  }
0xbf: {  	s10 =	sand.u32 $0x380, s13;
	s9 =	sor.u32 s30, s9;
	s15 =	simm.s32 $0x20;
	v8 =	vld.idx.msk [tilespmem:v8+s2+$0x0], $0xffff;
	v20 =	vmul.f32 $6.400000000e+01, v60;
	v7 =	vmul.f32 v6, v16;
	v63 =	vadd.s32 $0x1, v62  }
0xc0: {  	s9 =	sor.u32 s10, s9;
	s10 =	sand.u32 $0x3000, s15;
	s15 =	simm.s32 $0x8;
	v12 =	vld.idx.msk [tilespmem:v12+s2+$0x0], $0xffff;
	v16 =	vadd.s32 $0x42, v62;
	v6 =	vsub.f32 v14, v9;
	v4 =	vadd.f32 v5, v4  }
0xc1: {  	s1 =	sor.u32 s23, s1;
	s13 =	sand.u32 $0x380, s15;
	s0 =	sor.u32 s0, s10;
	v15 =	vld.idx.msk [tilespmem:v59+s2+$0x0], $0xffff;
	v14 =	vmul.f32 v18, v58;
	v5 =	vadd.f32 v7, v21;
	v7 =	vadd.f32 $5.000000000e-01, v11  }
0xc2: {  	s9 =	sadd.s32 $0x15180, s9;
	s0 =	sor.u32 s13, s0;
	v19 =	vld [tilespmem:s1+$0x80];
	v11 =	vadd.f32 $5.000000000e-01, v20;
	v20 =	vcvt.s32.f32 v17;
	v17 =	vadd.s32 $0x43, v62  }
0xc3: {  	s15 =	sor.u32 s26, s9;
	s0 =	sadd.s32 $0x15180, s0;
	v18 =	vld [tilespmem:s1+$0x0]  }
0xc4: {  	s30 =	simm.s32 $0x6;
	s25 =	sor.u32 s25, s9;
	[tilespmem:s15+$0x0] =	vst v22;
	s31 =	sor.u32 s31, s0;
	v13 =	vadd.f32 v14, v13;
	v9 =	vld.idx.msk [tilespmem:v62+s2+$0x0], $0xffff;
	v5 =	vsub.f32 v5, v4  }
0xc5: {  	s26 =	simm.s32 $0x4;
	s0 =	sor.u32 s28, s0;
	s28 =	simm.s32 $0x6;
	[tilespmem:s31+$0x0] =	vst v61;
	v21 =	vtrunc.f32 v7;
	v22 =	vtrunc.f32 v11;
	v20 =	vsub.f32 v23, v20;
	v14 =	vld.idx.msk [tilespmem:v63+s2+$0x0], $0xffff  }
.LBB2_4:
0xc6: {  	s30 =	sadd.s32 $0x2, s30;
	v22 =	vcvt.f32.s32 v22;
	v23 =	vld.idx.msk [tilespmem:v16+s2+$0x0], $0xffff;
	v12 =	vsub.f32 v12, v8;
	v15 =	vsub.f32 v15, v10;
	[tilespmem:s25+$0x0] =	vst v13;
	s25 =	smov.u32 s0  }
0xc7: {  	v13 =	vmul.f32 $6.400000000e+01, v19;
	v21 =	vcvt.f32.s32 v21;
	s0 =	sshll.u32 s30, $0x7;
	v16 =	vld.idx.msk [tilespmem:v17+s2+$0x0], $0xffff  }
0xc8: {  	s1 =	sshll.u32 s30, $0x5;
	s0 =	sand.u32 $0xC00, s0;
	v17 =	vmul.u32 $0x42, v22;
	v12 =	vmul.f32 v20, v12;
	v15 =	vmul.f32 v15, v20  }
0xc9: {  	s29 =	sadd.s32 $0x20, s29;
	v19 =	vcvt.s32.f32 v2;
	v18 =	vmul.f32 $6.400000000e+01, v18;
	s1 =	sand.u32 $0x3FFFFC00, s1;
	v13 =	vadd.f32 $5.000000000e-01, v13;
	v2 =	vmovc v22;
	s9 =	sshrl.u32 s0, $0x2  }
0xca: {  	s31 =	sand.u32 $0x60, s29;
	p0 =	slt.u32 s30, $0x3FE;
	s1 =	sor.u32 s9, s1;
	v17 =	vadd.s32 v21, v17;
	v20 =	vadd.f32 v12, v8;
	v8 =	vadd.f32 v15, v10  }
0xcb: {  	v18 =	vadd.f32 $5.000000000e-01, v18;
	s9 =	sor.u32 $0x10, s31;
	v10 =	vtrunc.f32 v13;
	s1 =	sadd.s32 $0x9180, s1;
	v12 =	vadd.s32 $0x1, v17  }
0xcc: {  	s13 =	sshll.u32 s26, $0x4;
	v19 =	vsub.f32 v1, v19;
	v1 =	vmovc v11;
	v15 =	vadd.s32 $0x42, v17;
	s10 =	sor.u32 s31, s1;
	s1 =	sor.u32 s9, s1;
	v8 =	vsub.f32 v8, v20  }
0xcd: {  	s15 =	sshll.u32 s26, $0x2;
	s26 =	smov.u32 s28;
	s13 =	sand.u32 $0x3000, s13;
	v22 =	vtrunc.f32 v18;
	v10 =	vcvt.f32.s32 v10;
	v24 =	vadd.s32 $0x43, v17;
	v11 =	vld [tilespmem:s1+$0x0]  }
0xce: {  	s28 =	smov.u32 s30;
	s13 =	sor.u32 s20, s13;
	v14 =	vsub.f32 v14, v9;
	v22 =	vcvt.f32.s32 v22;
	v25 =	vld [tilespmem:s1+$0x80];
	s1 =	sand.u32 $0x380, s15;
	v19 =	vmul.f32 v8, v19  }
0xcf: {  	s20 =	smov.u32 s22;
	s22 =	smov.u32 s0;
	v16 =	vsub.f32 v16, v23;
	v26 =	vcvt.s32.f32 v10;
	v10 =	vmul.u32 $0x42, v10;
	v8 =	vld.idx.msk [tilespmem:v17+s2+$0x0], $0xffff;
	s1 =	sor.u32 s1, s13  }
0xd0: {  	v14 =	vmul.f32 v6, v14;
	v27 =	vcvt.s32.f32 v22;
	v12 =	vld.idx.msk [tilespmem:v12+s2+$0x0], $0xffff;
	s1 =	sadd.s32 $0x15180, s1;
	v19 =	vadd.f32 v19, v20  }
0xd1: {  	v13 =	vsub.f32 v13, v26;
	v20 =	vadd.s32 v22, v10;
	v22 =	vmul.f32 v16, v6;
	v10 =	vld.idx.msk [tilespmem:v15+s2+$0x0], $0xffff;
	s0 =	sor.u32 s19, s1;
	s1 =	sor.u32 s21, s1;
	s19 =	smov.u32 s23  }
0xd2: {  	v26 =	vadd.s32 $0x1, v20;
	v16 =	vadd.s32 $0x42, v20;
	v17 =	vadd.s32 $0x43, v20;
	s23 =	smov.u32 s31;
	s21 =	smov.u32 s24;
	s24 =	smov.u32 s9;
	v15 =	vld.idx.msk [tilespmem:v24+s2+$0x0], $0xffff;
	[tilespmem:s1+$0x0] =	vst v19  }
.Ltmp1:
0xd3: {  	v6 =	vsub.f32 v18, v27;
	v11 =	vmul.f32 $6.400000000e+01, v11;
	v19 =	vld [tilespmem:s10+$0x80];
	v24 =	vmul.f32 $6.400000000e+01, v25;
	(pc) =	sbr.rel @p0 .LBB2_4-.Ltmp1, $4  }
0xd4: {  	v14 =	vadd.f32 v14, v9;
	v22 =	vadd.f32 v22, v23;
	v23 =	vmul.f32 v5, v0;
	v0 =	vmovc v3;
	v18 =	vld [tilespmem:s10+$0x0]  }
0xd5: {  	v3 =	vmovc v13;
	v25 =	vadd.f32 $5.000000000e-01, v11;
	v11 =	vadd.f32 $5.000000000e-01, v24;
	v24 =	vcvt.s32.f32 v21  }
0xd6: {  	v5 =	vsub.f32 v22, v14;
	v13 =	vadd.f32 v23, v4;
	v4 =	vmov v14;
	v9 =	vld.idx.msk [tilespmem:v20+s2+$0x0], $0xffff  }
0xd7: {  	v21 =	vtrunc.f32 v25;
	v22 =	vtrunc.f32 v11;
	v14 =	vld.idx.msk [tilespmem:v26+s2+$0x0], $0xffff;
	v20 =	vsub.f32 v7, v24;
	v7 =	vmovc v25  }
0xd8: {  	v19 =	vmul.f32 $6.400000000e+01, v19  }
0xd9: {  	v22 =	vcvt.f32.s32 v22  }
0xda: {  	v18 =	vmul.f32 $6.400000000e+01, v18;
	v19 =	vadd.f32 $5.000000000e-01, v19  }
0xdb: {  	v21 =	vcvt.f32.s32 v21;
	v23 =	vmul.u32 $0x42, v22  }
0xdc: {  	v18 =	vadd.f32 $5.000000000e-01, v18;
	v24 =	vtrunc.f32 v19  }
0xdd: {  	v23 =	vadd.s32 v21, v23;
	v24 =	vcvt.f32.s32 v24  }
0xde: {  	v25 =	vadd.s32 $0x1, v23;
	v26 =	vtrunc.f32 v18  }
0xdf: {  	v27 =	vadd.s32 $0x42, v23;
	v26 =	vcvt.f32.s32 v26;
	v28 =	vmul.u32 $0x42, v24  }
0xe0: {  	v16 =	vld.idx.msk [tilespmem:v16+s2+$0x0], $0xffff;
	v29 =	vadd.s32 $0x43, v23  }
0xe1: {  	v17 =	vld.idx.msk [tilespmem:v17+s2+$0x0], $0xffff;
	v28 =	vadd.s32 v26, v28  }
0xe2: {  	v23 =	vld.idx.msk [tilespmem:v23+s2+$0x0], $0xffff;
	v30 =	vadd.s32 $0x1, v28  }
0xe3: {  	v25 =	vld.idx.msk [tilespmem:v25+s2+$0x0], $0xffff;
	v31 =	vadd.s32 $0x42, v28  }
0xe4: {  	v27 =	vld.idx.msk [tilespmem:v27+s2+$0x0], $0xffff;
	v32 =	vadd.s32 $0x43, v28  }
0xe5: {  	v12 =	vsub.f32 v12, v8;
	v2 =	vcvt.s32.f32 v2;
	v29 =	vld.idx.msk [tilespmem:v29+s2+$0x0], $0xffff  }
0xe6: {  	v15 =	vsub.f32 v15, v10;
	v0 =	vmul.f32 v5, v0;
	v28 =	vld.idx.msk [tilespmem:v28+s2+$0x0], $0xffff  }
0xe7: {  	v12 =	vmul.f32 v20, v12;
	v1 =	vsub.f32 v1, v2;
	v14 =	vsub.f32 v14, v9;
	v44 =	vld.idx.msk [tilespmem:v30+s2+$0x0], $0xffff  }
0xe8: {  	v15 =	vmul.f32 v15, v20;
	v0 =	vadd.f32 v0, v4;
	v53 =	vsub.f32 v17, v16;
	v46 =	vld.idx.msk [tilespmem:v31+s2+$0x0], $0xffff  }
0xe9: {  	v43 =	vadd.f32 v12, v8;
	v21 =	vcvt.s32.f32 v21;
	v14 =	vmul.f32 v6, v14;
	v48 =	vld.idx.msk [tilespmem:v32+s2+$0x0], $0xffff  }
0xea: {  	v47 =	vadd.f32 v15, v10;
	v55 =	vmul.f32 v53, v6;
	v45 =	vcvt.s32.f32 v26  }
0xeb: {  	v7 =	vsub.f32 v7, v21;
	v52 =	vadd.f32 v14, v9  }
0xec: {  	v6 =	vadd.f32 v55, v16;
	v49 =	vsub.f32 v18, v45  }
0xed: {  	v50 =	vsub.f32 v25, v23;
	v51 =	vsub.f32 v29, v27  }
0xee: {  	v12 =	vsub.f32 v44, v28;
	v2 =	vsub.f32 v48, v46  }
0xef: {  	v10 =	vsub.f32 v47, v43;
	v54 =	vmul.f32 v7, v50;
	v7 =	vmul.f32 v51, v7  }
0xf0: {  	v59 =	vsub.f32 v6, v52;
	v12 =	vmul.f32 v49, v12;
	v2 =	vmul.f32 v2, v49  }
0xf1: {  	s1 =	sshll.u32 s26, $0x4;
	v56 =	vcvt.s32.f32 v22;
	v17 =	vadd.f32 v54, v23;
	v7 =	vadd.f32 v7, v27  }
0xf2: {  	s9 =	sshll.u32 s26, $0x2;
	s1 =	sand.u32 $0x3000, s1;
	v58 =	vcvt.s32.f32 v24;
	v12 =	vadd.f32 v12, v28;
	v2 =	vadd.f32 v2, v46  }
0xf3: {  	s10 =	sshll.u32 s28, $0x4;
	s9 =	sand.u32 $0x380, s9;
	s1 =	sor.u32 s20, s1;
	v57 =	vsub.f32 v11, v56;
	v1 =	vmul.f32 v10, v1;
	v7 =	vsub.f32 v7, v17  }
0xf4: {  	s28 =	sshll.u32 s28, $0x2;
	s26 =	sand.u32 $0x3000, s10;
	s1 =	sor.u32 s9, s1;
	v60 =	vsub.f32 v19, v58;
	v3 =	vmul.f32 v59, v3;
	v2 =	vsub.f32 v2, v12  }
0xf5: {  	[tilespmem:s25+$0x0] =	vst v13;
	s10 =	sand.u32 $0x380, s28;
	s9 =	sor.u32 s22, s26;
	s1 =	sadd.s32 $0x15180, s1;
	v1 =	vadd.f32 v1, v43;
	v7 =	vmul.f32 v7, v57  }
0xf6: {  	s9 =	sor.u32 s10, s9;
	[tilespmem:s0+$0x0] =	vst v0;
	s13 =	sor.u32 s21, s1;
	v62 =	vadd.f32 v3, v52;
	v2 =	vmul.f32 v2, v60  }
0xf7: {  	s9 =	sadd.s32 $0x15180, s9;
	s1 =	sor.u32 s19, s1;
	[tilespmem:s13+$0x0] =	vst v1;
	v61 =	vadd.f32 v7, v17  }
0xf8: {  	s29 =	sor.u32 s24, s9;
	[tilespmem:s1+$0x0] =	vst v62;
	v63 =	vadd.f32 v2, v12  }
0xf9: {  	s30 =	sor.u32 s23, s9;
	[tilespmem:s29+$0x0] =	vst v61  }
0xfa: {  	s31 =	simm.s32 $0x15180;
	s18 =	sadd.s32 $0x1, s18;
	[tilespmem:s30+$0x0] =	vst v63  }
0xfb: {  	[hbm4b:s7+s2] =	stream.linear.scatter [tilespmem:s31], [sflag:$0x4], $0x4000, $0x38;
	[tilespmem:$0x19180] =	vst v63  }
0xfc: {  	p0 =	sne.s32 s18, s8;
	_ =	swait.ge [sflag:s16], $0x4000  }
.Ltmp2:
0xfd: {  	[sflag:s16] =	ssyncset.done $0x0;
	(pc) =	sbr.rel @p0 .LBB2_1-.Ltmp2, $4  }
0xfe: {  	[sflag:s16] =	ssyncadd.s32 $0xFFFFC000  }
0xff: {  	_ =	swait.ge [sflag:s17], $0x4000  }
0x100: {  	[sflag:s17] =	ssyncset.done $0x0  }
0x101: {  	[sflag:s17] =	ssyncadd.s32 $0xFFFFC000  }
0x102: {  	_ =	sfence.sel $0x180000  }
0x103: {  	[bflag:$0x0] =	sbarrier.arrive $0xFFFF  }
0x104: {  	_ =	strace $0x90000047  }
0x105: {  	s0 =	stileid.u32;
	[bflag:$0x2] =	sbarrier.arrive $0xFFFF  }
0x106: {  	p0 =	sne.s32 s0, $0x0;
	s0 =	rddreg [dreg:$0x3]  }
0x107: {  	s0 =	sadd.s32 @!p0 $0x100000, s0  }
0x108: {  	[sflag:s0] =	ssyncadd.tile.s32 @!p0 $0x1;
	_ =	shalt  }
.Lfunc_end2:
_tile_overlayer_lowered:
.L_overlay_start_2:
0x109: {  	(tag) =	ssettag $0x2  }
0x10a: {  	s0 =	rddreg [dreg:$0x0];
	s2 =	stileid.u32  }
0x10b: {  	s1 =	rddreg [dreg:$0x1];
	p0 =	sne.s32 s2, $0x0  }
0x10c: {  	s3 =	rddreg [dreg:$0x2];
	[bflag:$0x3] =	sbarrier.arrive $0xFFFF;
	s2 =	simm.s32 @!p0 $0x1C05  }
0x10d: {  	[timem:s3], [sflag:s2] =	dma.local @!p0 [hbm:s0], s1  }
0x10e: {  	s0 =	simm.s32 @!p0 $0x5  }
0x10f: {  	_ =	swait.ge @!p0 [sflag:s0], s1  }
0x110: {  	s1 =	ssub.s32 @!p0 $0x0, s1;
	[sflag:s0] =	ssyncset.done @!p0 $0x0  }
0x111: {  	[sflag:s0] =	ssyncadd.s32 @!p0 s1  }
0x112: {  	[bflag:$0x3] =	sbarrier.arrive $0xFFFF  }
0x113: {  	_ =	shalt  }

</sc_bundles>
